<compile_context>
chip_gen: v7x
topology: tpu7x:2x2x1
jax: 0.10.2.dev20260603
libtpu: 0.0.44.dev20260713+nightly
codegen_flags: <defaults>
</compile_context>

<pallas_src>
import functools

import jax
import jax.numpy as jnp
import numpy as np
from jax import lax
from jax.experimental import pallas as pl
from jax.experimental.pallas import tpu as pltpu
from jax.experimental.pallas import tpu_sc as plsc

_N = 32768
_NCLASS = 128
_B = 128
_T = 50
_EPS = 1e-30

_betas = np.array([0.0004 * (k + 1) for k in range(_T)], dtype=np.float64)
_alphas = 1.0 - _betas
_alpha_bars = np.cumprod(_alphas, axis=0)
_prev_alpha_bars = np.concatenate([[1.0], _alpha_bars[:-1]])
_LA = np.log(_alphas + _EPS).astype(np.float32)
_L1MA = np.log(1.0 - _alphas + _EPS).astype(np.float32)
_LPAB = np.log(_prev_alpha_bars + _EPS).astype(np.float32)
_L1MPAB = np.log(1.0 - _prev_alpha_bars + _EPS).astype(np.float32)
_C_INIT = np.float32(np.maximum(np.log(1.0 / _NCLASS + _EPS), -30.0))
_LOG_EPS30 = np.log(np.float32(_EPS))


_TABLE = np.zeros((64, 8), dtype=np.float32)
_TABLE[:_T, 0] = _LA
_TABLE[:_T, 1] = (_LOG_EPS30 + _LA).astype(np.float32)
_TABLE[:_T, 2] = (_L1MA + _C_INIT).astype(np.float32)
_TABLE[:_T, 3] = _LPAB
_TABLE[:_T, 4] = (_L1MPAB + _C_INIT).astype(np.float32)
_TABLE[0, 5] = 1.0


_NW = 16
_BPW = _N // _NW


@functools.cache
def _make_sc_gather_t():
    @functools.partial(
        pl.kernel,
        mesh=plsc.VectorSubcoreMesh(core_axis_name="c", subcore_axis_name="s", num_cores=1),
        out_type=jax.ShapeDtypeStruct((_N,), jnp.int32),
        scratch_types=[
            pltpu.VMEM((_B,), jnp.int32),
            pltpu.VMEM((_BPW,), jnp.int32),
            pltpu.VMEM((_BPW,), jnp.int32),
        ],
        compiler_params=pltpu.CompilerParams(needs_layout_passes=False),
    )
    def _sc_gather_t(ts_hbm, batch_hbm, out_hbm, ts_v, b_v, t_v):
        wid = lax.axis_index("s") + lax.axis_index("c") * 0
        base = wid * _BPW
        pltpu.sync_copy(ts_hbm, ts_v)
        pltpu.sync_copy(batch_hbm.at[pl.ds(base, _BPW)], b_v)
        for g in range(_BPW // 16):
            idx = b_v[pl.ds(g * 16, 16)]
            t_v[pl.ds(g * 16, 16)] = plsc.load_gather(ts_v, [idx])
        pltpu.sync_copy(t_v, out_hbm.at[pl.ds(base, _BPW)])

    return _sc_gather_t


def _body(x0_ref, u_ref, xt_ref, t_ref, tab_ref, lp_ref, s_ref):
    r = x0_ref.shape[0]
    lane = jax.lax.broadcasted_iota(jnp.int32, (1, _NCLASS), 1)

    tab = tab_ref[...]
    la_c = tab[:, 0:1]
    lae_c = tab[:, 1:2]
    l1_c = tab[:, 2:3]
    m1 = jnp.maximum(la_c, l1_c)
    lxt_c = m1 + jnp.log(jnp.exp(la_c - m1) + jnp.exp(l1_c - m1))
    m2 = jnp.maximum(lae_c, l1_c)
    loth_c = m2 + jnp.log(jnp.exp(lae_c - m2) + jnp.exp(l1_c - m2))
    mat = jnp.concatenate([lxt_c, loth_c, tab[:, 3:6]], axis=1)
    lane64 = jax.lax.broadcasted_iota(jnp.int32, (1, 64), 1)

    x0 = x0_ref[...]
    oh_t = (t_ref[...] == lane64).astype(jnp.float32)
    coefs = jax.lax.dot_general(oh_t, mat, (((1,), (0,)), ((), ())),
                                precision=jax.lax.Precision.HIGHEST,
                                preferred_element_type=jnp.float32)
    lxt = coefs[:, 0:1]
    loth = coefs[:, 1:2]
    lpab = coefs[:, 2:3]
    r2 = coefs[:, 3:4]
    tzm = coefs[:, 4:5] > 0.5

    xtm = xt_ref[...] == lane
    left = jnp.where(xtm, lxt, loth)
    a = lpab + x0
    m = jnp.maximum(a, r2)
    right = m + jnp.log(jnp.exp(a - m) + jnp.exp(r2 - m))
    lp = left + right
    rowmax = jnp.max(lp, axis=1, keepdims=True)
    lse = rowmax + jnp.log(
        jnp.sum(jnp.exp(lp - rowmax), axis=1, keepdims=True))
    lp_out = jnp.where(tzm, x0, lp - lse)
    lp_ref[...] = lp_out

    g = -jnp.log(-jnp.log(u_ref[...] + jnp.float32(_EPS))
                 + jnp.float32(_EPS))
    sel = jnp.where(tzm, x0, g + lp_out)
    s_ref[...] = jnp.argmax(sel, axis=1).astype(jnp.int32)[:, None]


def kernel(x0_logprob, uniform_noise, xt, timestep, batch):
    r = 4096
    grid = (_N // r,)
    tvals = _make_sc_gather_t()(timestep, batch)
    xt2 = xt.reshape(_N, 1)
    t2 = tvals.reshape(_N, 1)
    tab = jnp.asarray(_TABLE)
    lp, s2 = pl.pallas_call(
        _body,
        grid=grid,
        in_specs=[
            pl.BlockSpec((r, _NCLASS), lambda i: (i, 0)),
            pl.BlockSpec((r, _NCLASS), lambda i: (i, 0)),
            pl.BlockSpec((r, 1), lambda i: (i, 0)),
            pl.BlockSpec((r, 1), lambda i: (i, 0)),
            pl.BlockSpec((64, 8), lambda i: (0, 0)),
        ],
        out_specs=[
            pl.BlockSpec((r, _NCLASS), lambda i: (i, 0)),
            pl.BlockSpec((r, 1), lambda i: (i, 0)),
        ],
        out_shape=[
            jax.ShapeDtypeStruct((_N, _NCLASS), jnp.float32),
            jax.ShapeDtypeStruct((_N, 1), jnp.int32),
        ],
        compiler_params=pltpu.CompilerParams(dimension_semantics=("parallel",)),
    )(x0_logprob, uniform_noise, xt2, t2, tab)
    return lp, s2.reshape(_N)

# --- scband reference (transcript-rebuilt; emitter-appended) ---
"""Pipeline reference for scband-categorical-transition-68040871903457 (READ-ONLY COPY).

The authoritative reference and input builder live on the scoring server;
editing this copy changes nothing except your own understanding.
"""

import jax, jax.numpy as jnp
import numpy as np

N = 32768
N_CLASS = 128
B = 128
T = 50
EPS = 1e-30
LOG_EPS = -30.0

BETAS = np.array([0.0004 * (k + 1) for k in range(T)], dtype=np.float64)
_alphas = 1.0 - BETAS
_alpha_bars = np.cumprod(_alphas, axis=0)
_prev_alpha_bars = np.concatenate([[1.0], _alpha_bars[:-1]])
LOG_ALPHAS = jnp.asarray(np.log(_alphas + EPS), dtype=jnp.float32)
LOG_1_MIN_ALPHAS = jnp.asarray(np.log(1.0 - _alphas + EPS), dtype=jnp.float32)
LOG_PREV_ALPHA_BARS = jnp.asarray(np.log(_prev_alpha_bars + EPS), dtype=jnp.float32)
LOG_1_MIN_PREV_ALPHA_BARS = jnp.asarray(np.log(1.0 - _prev_alpha_bars + EPS), dtype=jnp.float32)
INIT_LOGPROB = jnp.asarray(np.maximum(np.log(np.ones(N_CLASS) / N_CLASS + EPS), LOG_EPS), dtype=jnp.float32)


def _log_add_exp(a, b):
    m = jnp.maximum(a, b)
    return m + jnp.log(jnp.exp(a - m) + jnp.exp(b - m))


def _extract(coef, timestep, batch):
    # coef[timestep][batch].unsqueeze(-1)
    return jnp.take(jnp.take(coef, timestep, axis=0), batch, axis=0)[:, None]


def _idx_to_logprob(idx):
    onehot = jax.nn.one_hot(idx, N_CLASS, dtype=jnp.float32)
    return jnp.log(jnp.clip(onehot, EPS, None))


def setup_inputs(seed: int = 0) -> dict:
    key = jax.random.key(seed)
    k1, k2, k3, k4, k5 = jax.random.split(key, 5)
    x0_logprob = jax.random.normal(k1, (N, N_CLASS), dtype=jnp.float32)
    uniform_noise = jax.random.uniform(k2, (N, N_CLASS), dtype=jnp.float32)
    xt = jax.random.randint(k3, (N,), 0, N_CLASS, dtype=jnp.int32)
    timestep = jax.random.randint(k4, (B,), 0, T, dtype=jnp.int32)
    batch = jnp.sort(jax.random.randint(k5, (N,), 0, B, dtype=jnp.int32))
    return {"x0_logprob": x0_logprob, "uniform_noise": uniform_noise, "xt": xt, "timestep": timestep, "batch": batch}


def reference(x0_logprob, uniform_noise, xt, timestep, batch):
    # calc_posterior_and_sample: q(x_{t-1} | x_t, x_0)
    log_alpha = _extract(LOG_ALPHAS, timestep, batch)
    log_1_min_alpha = _extract(LOG_1_MIN_ALPHAS, timestep, batch)
    log_prev_alpha_bar = _extract(LOG_PREV_ALPHA_BARS, timestep, batch)
    log_1_min_prev_alpha_bar = _extract(LOG_1_MIN_PREV_ALPHA_BARS, timestep, batch)
    timeiszero = (timestep[batch] == 0)
    xt_logprob = _idx_to_logprob(xt)
    init_logprob = jnp.broadcast_to(INIT_LOGPROB[None, :], (N, N_CLASS))
    left_term = _log_add_exp(xt_logprob + log_alpha, log_1_min_alpha + init_logprob)
    right_term = _log_add_exp(log_prev_alpha_bar + x0_logprob, log_1_min_prev_alpha_bar + init_logprob)
    xtprev_logprob = left_term + right_term
    xtprev_logprob = xtprev_logprob - jax.scipy.special.logsumexp(xtprev_logprob, axis=-1, keepdims=True)
    xtprev_logprob = jnp.where(timeiszero[:, None], x0_logprob, xtprev_logprob)
    # sample_from_logprob (gumbel-max with externally supplied uniform noise)
    gumbel_noise = -jnp.log(-jnp.log(uniform_noise + EPS) + EPS)
    xtprev = jnp.argmax(gumbel_noise + xtprev_logprob, axis=-1)
    x0_argmax = jnp.argmax(x0_logprob, axis=1)
    xtprev = jnp.where(timeiszero, x0_argmax, xtprev)
    return (xtprev_logprob, xtprev)

if __name__ == "__main__":
    import jax
    _d = setup_inputs()
    print(jax.jit(kernel)(*tuple(_d.values())))

</pallas_src>

<mosaic_0001>
#map = affine_map<(d0, d1) -> (0)>
module attributes {stable_mosaic.version = 14 : i64} {
  func.func @_sc_gather_t(%arg0: i32, %arg1: i32, %arg2: memref<128xi32, #tpu.memory_space<hbm>>, %arg3: memref<32768xi32, #tpu.memory_space<hbm>>, %arg4: memref<32768xi32, #tpu.memory_space<hbm>>, %arg5: memref<128xi32, #tpu.memory_space<vmem>>, %arg6: memref<2048xi32, #tpu.memory_space<vmem>>, %arg7: memref<2048xi32, #tpu.memory_space<vmem>>) attributes {dimension_semantics = [#tpu.dimension_semantics<core_parallel>, #tpu.dimension_semantics<subcore_parallel>], iteration_bounds = array<i64: 1, 16>, scalar_prefetch = 0 : i64, scratch_operands = 3 : i64, tpu.core_type = #tpu.core_type<sc_vector_subcore>, window_params = [{transform_indices = #map}, {transform_indices = #map}, {transform_indices = #map}]} {
    %mul3A = arith.constant 0 : i32
    %mul3A_0 = arith.muli %arg0, %mul3A : i32
    %add3A = arith.addi %arg1, %mul3A_0 : i32
    %mul3A_1 = arith.constant 2048 : i32
    %mul3A_2 = arith.muli %add3A, %mul3A_1 : i32
    "tpu.region"() ({
      %run_scoped3A = tpu.sem_alloc : memref<!tpu.dma_semaphore, #tpu.memory_space<semaphore_mem>>
      tpu.enqueue_dma source(%arg2 : memref<128xi32, #tpu.memory_space<hbm>>) target(%arg5 : memref<128xi32, #tpu.memory_space<vmem>>) target_semaphore(%run_scoped3A : memref<!tpu.dma_semaphore, #tpu.memory_space<semaphore_mem>>)
      tpu.wait_dma2 semaphore(%run_scoped3A : memref<!tpu.dma_semaphore, #tpu.memory_space<semaphore_mem>>) src(%arg2 : memref<128xi32, #tpu.memory_space<hbm>>) dst(%arg5 : memref<128xi32, #tpu.memory_space<vmem>>)
      tpu.yield
    }) : () -> ()
    "tpu.region"() ({
      %run_scoped3A = tpu.sem_alloc : memref<!tpu.dma_semaphore, #tpu.memory_space<semaphore_mem>>
      %dma_start3A = tpu.memref_slice %arg3[%mul3A_2] : memref<32768xi32, #tpu.memory_space<hbm>> -> memref<2048xi32, #tpu.memory_space<hbm>>
      %dma_start3A_640 = tpu.memref_slice %arg3[%mul3A_2] : memref<32768xi32, #tpu.memory_space<hbm>> -> memref<2048xi32, #tpu.memory_space<hbm>>
      tpu.enqueue_dma source(%dma_start3A_640 : memref<2048xi32, #tpu.memory_space<hbm>>) target(%arg6 : memref<2048xi32, #tpu.memory_space<vmem>>) target_semaphore(%run_scoped3A : memref<!tpu.dma_semaphore, #tpu.memory_space<semaphore_mem>>)
      %dma_wait3A = tpu.memref_slice %arg3[%mul3A_2] : memref<32768xi32, #tpu.memory_space<hbm>> -> memref<2048xi32, #tpu.memory_space<hbm>>
      %dma_wait3A_641 = tpu.memref_slice %arg3[%mul3A_2] : memref<32768xi32, #tpu.memory_space<hbm>> -> memref<2048xi32, #tpu.memory_space<hbm>>
      tpu.wait_dma2 semaphore(%run_scoped3A : memref<!tpu.dma_semaphore, #tpu.memory_space<semaphore_mem>>) src(%dma_wait3A_641 : memref<2048xi32, #tpu.memory_space<hbm>>) dst(%arg6 : memref<2048xi32, #tpu.memory_space<vmem>>)
      tpu.yield
    }) : () -> ()
    %get3A = arith.constant 0 : index
    %get3A_3 = tpu.vector_load %arg6[%get3A] {strides = array<i32>} : memref<2048xi32, #tpu.memory_space<vmem>>, vector<16xi32>,
    %gather3A = tpu.vector_load_idx %arg5[%get3A_3] : memref<128xi32, #tpu.memory_space<vmem>>[vector<16xi32>], vector<16xi32>,
    %swap3A = arith.constant 0 : index
    %swap3A_4 = tpu.vector_load %arg7[%swap3A] {strides = array<i32>} : memref<2048xi32, #tpu.memory_space<vmem>>, vector<16xi32>,
    tpu.vector_store %arg7[%swap3A], %gather3A {strides = array<i32>} : memref<2048xi32, #tpu.memory_space<vmem>>, vector<16xi32>,
    %get3A_5 = arith.constant 16 : index
    %get3A_6 = tpu.vector_load %arg6[%get3A_5] {strides = array<i32>} : memref<2048xi32, #tpu.memory_space<vmem>>, vector<16xi32>,
    %gather3A_7 = tpu.vector_load_idx %arg5[%get3A_6] : memref<128xi32, #tpu.memory_space<vmem>>[vector<16xi32>], vector<16xi32>,
    %swap3A_8 = arith.constant 16 : index
    %swap3A_9 = tpu.vector_load %arg7[%swap3A_8] {strides = array<i32>} : memref<2048xi32, #tpu.memory_space<vmem>>, vector<16xi32>,
    tpu.vector_store %arg7[%swap3A_8], %gather3A_7 {strides = array<i32>} : memref<2048xi32, #tpu.memory_space<vmem>>, vector<16xi32>,
    %get3A_10 = arith.constant 32 : index
    %get3A_11 = tpu.vector_load %arg6[%get3A_10] {strides = array<i32>} : memref<2048xi32, #tpu.memory_space<vmem>>, vector<16xi32>,
    %gather3A_12 = tpu.vector_load_idx %arg5[%get3A_11] : memref<128xi32, #tpu.memory_space<vmem>>[vector<16xi32>], vector<16xi32>,
    %swap3A_13 = arith.constant 32 : index
    %swap3A_14 = tpu.vector_load %arg7[%swap3A_13] {strides = array<i32>} : memref<2048xi32, #tpu.memory_space<vmem>>, vector<16xi32>,
    tpu.vector_store %arg7[%swap3A_13], %gather3A_12 {strides = array<i32>} : memref<2048xi32, #tpu.memory_space<vmem>>, vector<16xi32>,
    %get3A_15 = arith.constant 48 : index
    %get3A_16 = tpu.vector_load %arg6[%get3A_15] {strides = array<i32>} : memref<2048xi32, #tpu.memory_space<vmem>>, vector<16xi32>,
    %gather3A_17 = tpu.vector_load_idx %arg5[%get3A_16] : memref<128xi32, #tpu.memory_space<vmem>>[vector<16xi32>], vector<16xi32>,
    %swap3A_18 = arith.constant 48 : index
    %swap3A_19 = tpu.vector_load %arg7[%swap3A_18] {strides = array<i32>} : memref<2048xi32, #tpu.memory_space<vmem>>, vector<16xi32>,
    tpu.vector_store %arg7[%swap3A_18], %gather3A_17 {strides = array<i32>} : memref<2048xi32, #tpu.memory_space<vmem>>, vector<16xi32>,
    %get3A_20 = arith.constant 64 : index
    %get3A_21 = tpu.vector_load %arg6[%get3A_20] {strides = array<i32>} : memref<2048xi32, #tpu.memory_space<vmem>>, vector<16xi32>,
    %gather3A_22 = tpu.vector_load_idx %arg5[%get3A_21] : memref<128xi32, #tpu.memory_space<vmem>>[vector<16xi32>], vector<16xi32>,
    %swap3A_23 = arith.constant 64 : index
    %swap3A_24 = tpu.vector_load %arg7[%swap3A_23] {strides = array<i32>} : memref<2048xi32, #tpu.memory_space<vmem>>, vector<16xi32>,
    tpu.vector_store %arg7[%swap3A_23], %gather3A_22 {strides = array<i32>} : memref<2048xi32, #tpu.memory_space<vmem>>, vector<16xi32>,
    %get3A_25 = arith.constant 80 : index
    %get3A_26 = tpu.vector_load %arg6[%get3A_25] {strides = array<i32>} : memref<2048xi32, #tpu.memory_space<vmem>>, vector<16xi32>,
    %gather3A_27 = tpu.vector_load_idx %arg5[%get3A_26] : memref<128xi32, #tpu.memory_space<vmem>>[vector<16xi32>], vector<16xi32>,
    %swap3A_28 = arith.constant 80 : index
    %swap3A_29 = tpu.vector_load %arg7[%swap3A_28] {strides = array<i32>} : memref<2048xi32, #tpu.memory_space<vmem>>, vector<16xi32>,
    tpu.vector_store %arg7[%swap3A_28], %gather3A_27 {strides = array<i32>} : memref<2048xi32, #tpu.memory_space<vmem>>, vector<16xi32>,
    %get3A_30 = arith.constant 96 : index
    %get3A_31 = tpu.vector_load %arg6[%get3A_30] {strides = array<i32>} : memref<2048xi32, #tpu.memory_space<vmem>>, vector<16xi32>,
    %gather3A_32 = tpu.vector_load_idx %arg5[%get3A_31] : memref<128xi32, #tpu.memory_space<vmem>>[vector<16xi32>], vector<16xi32>,
    %swap3A_33 = arith.constant 96 : index
    %swap3A_34 = tpu.vector_load %arg7[%swap3A_33] {strides = array<i32>} : memref<2048xi32, #tpu.memory_space<vmem>>, vector<16xi32>,
    tpu.vector_store %arg7[%swap3A_33], %gather3A_32 {strides = array<i32>} : memref<2048xi32, #tpu.memory_space<vmem>>, vector<16xi32>,
    %get3A_35 = arith.constant 112 : index
    %get3A_36 = tpu.vector_load %arg6[%get3A_35] {strides = array<i32>} : memref<2048xi32, #tpu.memory_space<vmem>>, vector<16xi32>,
    %gather3A_37 = tpu.vector_load_idx %arg5[%get3A_36] : memref<128xi32, #tpu.memory_space<vmem>>[vector<16xi32>], vector<16xi32>,
    %swap3A_38 = arith.constant 112 : index
    %swap3A_39 = tpu.vector_load %arg7[%swap3A_38] {strides = array<i32>} : memref<2048xi32, #tpu.memory_space<vmem>>, vector<16xi32>,
    tpu.vector_store %arg7[%swap3A_38], %gather3A_37 {strides = array<i32>} : memref<2048xi32, #tpu.memory_space<vmem>>, vector<16xi32>,
    %get3A_40 = arith.constant 128 : index
    %get3A_41 = tpu.vector_load %arg6[%get3A_40] {strides = array<i32>} : memref<2048xi32, #tpu.memory_space<vmem>>, vector<16xi32>,
    %gather3A_42 = tpu.vector_load_idx %arg5[%get3A_41] : memref<128xi32, #tpu.memory_space<vmem>>[vector<16xi32>], vector<16xi32>,
    %swap3A_43 = arith.constant 128 : index
    %swap3A_44 = tpu.vector_load %arg7[%swap3A_43] {strides = array<i32>} : memref<2048xi32, #tpu.memory_space<vmem>>, vector<16xi32>,
    tpu.vector_store %arg7[%swap3A_43], %gather3A_42 {strides = array<i32>} : memref<2048xi32, #tpu.memory_space<vmem>>, vector<16xi32>,
    %get3A_45 = arith.constant 144 : index
    %get3A_46 = tpu.vector_load %arg6[%get3A_45] {strides = array<i32>} : memref<2048xi32, #tpu.memory_space<vmem>>, vector<16xi32>,
    %gather3A_47 = tpu.vector_load_idx %arg5[%get3A_46] : memref<128xi32, #tpu.memory_space<vmem>>[vector<16xi32>], vector<16xi32>,
    %swap3A_48 = arith.constant 144 : index
    %swap3A_49 = tpu.vector_load %arg7[%swap3A_48] {strides = array<i32>} : memref<2048xi32, #tpu.memory_space<vmem>>, vector<16xi32>,
    tpu.vector_store %arg7[%swap3A_48], %gather3A_47 {strides = array<i32>} : memref<2048xi32, #tpu.memory_space<vmem>>, vector<16xi32>,
    %get3A_50 = arith.constant 160 : index
    %get3A_51 = tpu.vector_load %arg6[%get3A_50] {strides = array<i32>} : memref<2048xi32, #tpu.memory_space<vmem>>, vector<16xi32>,
    %gather3A_52 = tpu.vector_load_idx %arg5[%get3A_51] : memref<128xi32, #tpu.memory_space<vmem>>[vector<16xi32>], vector<16xi32>,
    %swap3A_53 = arith.constant 160 : index
    %swap3A_54 = tpu.vector_load %arg7[%swap3A_53] {strides = array<i32>} : memref<2048xi32, #tpu.memory_space<vmem>>, vector<16xi32>,
    tpu.vector_store %arg7[%swap3A_53], %gather3A_52 {strides = array<i32>} : memref<2048xi32, #tpu.memory_space<vmem>>, vector<16xi32>,
    %get3A_55 = arith.constant 176 : index
    %get3A_56 = tpu.vector_load %arg6[%get3A_55] {strides = array<i32>} : memref<2048xi32, #tpu.memory_space<vmem>>, vector<16xi32>,
    %gather3A_57 = tpu.vector_load_idx %arg5[%get3A_56] : memref<128xi32, #tpu.memory_space<vmem>>[vector<16xi32>], vector<16xi32>,
    %swap3A_58 = arith.constant 176 : index
    %swap3A_59 = tpu.vector_load %arg7[%swap3A_58] {strides = array<i32>} : memref<2048xi32, #tpu.memory_space<vmem>>, vector<16xi32>,
    tpu.vector_store %arg7[%swap3A_58], %gather3A_57 {strides = array<i32>} : memref<2048xi32, #tpu.memory_space<vmem>>, vector<16xi32>,
    %get3A_60 = arith.constant 192 : index
    %get3A_61 = tpu.vector_load %arg6[%get3A_60] {strides = array<i32>} : memref<2048xi32, #tpu.memory_space<vmem>>, vector<16xi32>,
    %gather3A_62 = tpu.vector_load_idx %arg5[%get3A_61] : memref<128xi32, #tpu.memory_space<vmem>>[vector<16xi32>], vector<16xi32>,
    %swap3A_63 = arith.constant 192 : index
    %swap3A_64 = tpu.vector_load %arg7[%swap3A_63] {strides = array<i32>} : memref<2048xi32, #tpu.memory_space<vmem>>, vector<16xi32>,
    tpu.vector_store %arg7[%swap3A_63], %gather3A_62 {strides = array<i32>} : memref<2048xi32, #tpu.memory_space<vmem>>, vector<16xi32>,
    %get3A_65 = arith.constant 208 : index
    %get3A_66 = tpu.vector_load %arg6[%get3A_65] {strides = array<i32>} : memref<2048xi32, #tpu.memory_space<vmem>>, vector<16xi32>,
    %gather3A_67 = tpu.vector_load_idx %arg5[%get3A_66] : memref<128xi32, #tpu.memory_space<vmem>>[vector<16xi32>], vector<16xi32>,
    %swap3A_68 = arith.constant 208 : index
    %swap3A_69 = tpu.vector_load %arg7[%swap3A_68] {strides = array<i32>} : memref<2048xi32, #tpu.memory_space<vmem>>, vector<16xi32>,
    tpu.vector_store %arg7[%swap3A_68], %gather3A_67 {strides = array<i32>} : memref<2048xi32, #tpu.memory_space<vmem>>, vector<16xi32>,
    %get3A_70 = arith.constant 224 : index
    %get3A_71 = tpu.vector_load %arg6[%get3A_70] {strides = array<i32>} : memref<2048xi32, #tpu.memory_space<vmem>>, vector<16xi32>,
    %gather3A_72 = tpu.vector_load_idx %arg5[%get3A_71] : memref<128xi32, #tpu.memory_space<vmem>>[vector<16xi32>], vector<16xi32>,
    %swap3A_73 = arith.constant 224 : index
    %swap3A_74 = tpu.vector_load %arg7[%swap3A_73] {strides = array<i32>} : memref<2048xi32, #tpu.memory_space<vmem>>, vector<16xi32>,
    tpu.vector_store %arg7[%swap3A_73], %gather3A_72 {strides = array<i32>} : memref<2048xi32, #tpu.memory_space<vmem>>, vector<16xi32>,
    %get3A_75 = arith.constant 240 : index
    %get3A_76 = tpu.vector_load %arg6[%get3A_75] {strides = array<i32>} : memref<2048xi32, #tpu.memory_space<vmem>>, vector<16xi32>,
    %gather3A_77 = tpu.vector_load_idx %arg5[%get3A_76] : memref<128xi32, #tpu.memory_space<vmem>>[vector<16xi32>], vector<16xi32>,
    %swap3A_78 = arith.constant 240 : index
    %swap3A_79 = tpu.vector_load %arg7[%swap3A_78] {strides = array<i32>} : memref<2048xi32, #tpu.memory_space<vmem>>, vector<16xi32>,
    tpu.vector_store %arg7[%swap3A_78], %gather3A_77 {strides = array<i32>} : memref<2048xi32, #tpu.memory_space<vmem>>, vector<16xi32>,
    %get3A_80 = arith.constant 256 : index
    %get3A_81 = tpu.vector_load %arg6[%get3A_80] {strides = array<i32>} : memref<2048xi32, #tpu.memory_space<vmem>>, vector<16xi32>,
    %gather3A_82 = tpu.vector_load_idx %arg5[%get3A_81] : memref<128xi32, #tpu.memory_space<vmem>>[vector<16xi32>], vector<16xi32>,
    %swap3A_83 = arith.constant 256 : index
    %swap3A_84 = tpu.vector_load %arg7[%swap3A_83] {strides = array<i32>} : memref<2048xi32, #tpu.memory_space<vmem>>, vector<16xi32>,
    tpu.vector_store %arg7[%swap3A_83], %gather3A_82 {strides = array<i32>} : memref<2048xi32, #tpu.memory_space<vmem>>, vector<16xi32>,
    %get3A_85 = arith.constant 272 : index
    %get3A_86 = tpu.vector_load %arg6[%get3A_85] {strides = array<i32>} : memref<2048xi32, #tpu.memory_space<vmem>>, vector<16xi32>,
    %gather3A_87 = tpu.vector_load_idx %arg5[%get3A_86] : memref<128xi32, #tpu.memory_space<vmem>>[vector<16xi32>], vector<16xi32>,
    %swap3A_88 = arith.constant 272 : index
    %swap3A_89 = tpu.vector_load %arg7[%swap3A_88] {strides = array<i32>} : memref<2048xi32, #tpu.memory_space<vmem>>, vector<16xi32>,
    tpu.vector_store %arg7[%swap3A_88], %gather3A_87 {strides = array<i32>} : memref<2048xi32, #tpu.memory_space<vmem>>, vector<16xi32>,
    %get3A_90 = arith.constant 288 : index
    %get3A_91 = tpu.vector_load %arg6[%get3A_90] {strides = array<i32>} : memref<2048xi32, #tpu.memory_space<vmem>>, vector<16xi32>,
    %gather3A_92 = tpu.vector_load_idx %arg5[%get3A_91] : memref<128xi32, #tpu.memory_space<vmem>>[vector<16xi32>], vector<16xi32>,
    %swap3A_93 = arith.constant 288 : index
    %swap3A_94 = tpu.vector_load %arg7[%swap3A_93] {strides = array<i32>} : memref<2048xi32, #tpu.memory_space<vmem>>, vector<16xi32>,
    tpu.vector_store %arg7[%swap3A_93], %gather3A_92 {strides = array<i32>} : memref<2048xi32, #tpu.memory_space<vmem>>, vector<16xi32>,
    %get3A_95 = arith.constant 304 : index
    %get3A_96 = tpu.vector_load %arg6[%get3A_95] {strides = array<i32>} : memref<2048xi32, #tpu.memory_space<vmem>>, vector<16xi32>,
    %gather3A_97 = tpu.vector_load_idx %arg5[%get3A_96] : memref<128xi32, #tpu.memory_space<vmem>>[vector<16xi32>], vector<16xi32>,
    %swap3A_98 = arith.constant 304 : index
    %swap3A_99 = tpu.vector_load %arg7[%swap3A_98] {strides = array<i32>} : memref<2048xi32, #tpu.memory_space<vmem>>, vector<16xi32>,
    tpu.vector_store %arg7[%swap3A_98], %gather3A_97 {strides = array<i32>} : memref<2048xi32, #tpu.memory_space<vmem>>, vector<16xi32>,
    %get3A_100 = arith.constant 320 : index
    %get3A_101 = tpu.vector_load %arg6[%get3A_100] {strides = array<i32>} : memref<2048xi32, #tpu.memory_space<vmem>>, vector<16xi32>,
    %gather3A_102 = tpu.vector_load_idx %arg5[%get3A_101] : memref<128xi32, #tpu.memory_space<vmem>>[vector<16xi32>], vector<16xi32>,
    %swap3A_103 = arith.constant 320 : index
    %swap3A_104 = tpu.vector_load %arg7[%swap3A_103] {strides = array<i32>} : memref<2048xi32, #tpu.memory_space<vmem>>, vector<16xi32>,
    tpu.vector_store %arg7[%swap3A_103], %gather3A_102 {strides = array<i32>} : memref<2048xi32, #tpu.memory_space<vmem>>, vector<16xi32>,
    %get3A_105 = arith.constant 336 : index
    %get3A_106 = tpu.vector_load %arg6[%get3A_105] {strides = array<i32>} : memref<2048xi32, #tpu.memory_space<vmem>>, vector<16xi32>,
    %gather3A_107 = tpu.vector_load_idx %arg5[%get3A_106] : memref<128xi32, #tpu.memory_space<vmem>>[vector<16xi32>], vector<16xi32>,
    %swap3A_108 = arith.constant 336 : index
    %swap3A_109 = tpu.vector_load %arg7[%swap3A_108] {strides = array<i32>} : memref<2048xi32, #tpu.memory_space<vmem>>, vector<16xi32>,
    tpu.vector_store %arg7[%swap3A_108], %gather3A_107 {strides = array<i32>} : memref<2048xi32, #tpu.memory_space<vmem>>, vector<16xi32>,
    %get3A_110 = arith.constant 352 : index
    %get3A_111 = tpu.vector_load %arg6[%get3A_110] {strides = array<i32>} : memref<2048xi32, #tpu.memory_space<vmem>>, vector<16xi32>,
    %gather3A_112 = tpu.vector_load_idx %arg5[%get3A_111] : memref<128xi32, #tpu.memory_space<vmem>>[vector<16xi32>], vector<16xi32>,
    %swap3A_113 = arith.constant 352 : index
    %swap3A_114 = tpu.vector_load %arg7[%swap3A_113] {strides = array<i32>} : memref<2048xi32, #tpu.memory_space<vmem>>, vector<16xi32>,
    tpu.vector_store %arg7[%swap3A_113], %gather3A_112 {strides = array<i32>} : memref<2048xi32, #tpu.memory_space<vmem>>, vector<16xi32>,
    %get3A_115 = arith.constant 368 : index
    %get3A_116 = tpu.vector_load %arg6[%get3A_115] {strides = array<i32>} : memref<2048xi32, #tpu.memory_space<vmem>>, vector<16xi32>,
    %gather3A_117 = tpu.vector_load_idx %arg5[%get3A_116] : memref<128xi32, #tpu.memory_space<vmem>>[vector<16xi32>], vector<16xi32>,
    %swap3A_118 = arith.constant 368 : index
    %swap3A_119 = tpu.vector_load %arg7[%swap3A_118] {strides = array<i32>} : memref<2048xi32, #tpu.memory_space<vmem>>, vector<16xi32>,
    tpu.vector_store %arg7[%swap3A_118], %gather3A_117 {strides = array<i32>} : memref<2048xi32, #tpu.memory_space<vmem>>, vector<16xi32>,
    %get3A_120 = arith.constant 384 : index
    %get3A_121 = tpu.vector_load %arg6[%get3A_120] {strides = array<i32>} : memref<2048xi32, #tpu.memory_space<vmem>>, vector<16xi32>,
    %gather3A_122 = tpu.vector_load_idx %arg5[%get3A_121] : memref<128xi32, #tpu.memory_space<vmem>>[vector<16xi32>], vector<16xi32>,
    %swap3A_123 = arith.constant 384 : index
    %swap3A_124 = tpu.vector_load %arg7[%swap3A_123] {strides = array<i32>} : memref<2048xi32, #tpu.memory_space<vmem>>, vector<16xi32>,
    tpu.vector_store %arg7[%swap3A_123], %gather3A_122 {strides = array<i32>} : memref<2048xi32, #tpu.memory_space<vmem>>, vector<16xi32>,
    %get3A_125 = arith.constant 400 : index
    %get3A_126 = tpu.vector_load %arg6[%get3A_125] {strides = array<i32>} : memref<2048xi32, #tpu.memory_space<vmem>>, vector<16xi32>,
    %gather3A_127 = tpu.vector_load_idx %arg5[%get3A_126] : memref<128xi32, #tpu.memory_space<vmem>>[vector<16xi32>], vector<16xi32>,
    %swap3A_128 = arith.constant 400 : index
    %swap3A_129 = tpu.vector_load %arg7[%swap3A_128] {strides = array<i32>} : memref<2048xi32, #tpu.memory_space<vmem>>, vector<16xi32>,
    tpu.vector_store %arg7[%swap3A_128], %gather3A_127 {strides = array<i32>} : memref<2048xi32, #tpu.memory_space<vmem>>, vector<16xi32>,
    %get3A_130 = arith.constant 416 : index
    %get3A_131 = tpu.vector_load %arg6[%get3A_130] {strides = array<i32>} : memref<2048xi32, #tpu.memory_space<vmem>>, vector<16xi32>,
    %gather3A_132 = tpu.vector_load_idx %arg5[%get3A_131] : memref<128xi32, #tpu.memory_space<vmem>>[vector<16xi32>], vector<16xi32>,
    %swap3A_133 = arith.constant 416 : index
    %swap3A_134 = tpu.vector_load %arg7[%swap3A_133] {strides = array<i32>} : memref<2048xi32, #tpu.memory_space<vmem>>, vector<16xi32>,
    tpu.vector_store %arg7[%swap3A_133], %gather3A_132 {strides = array<i32>} : memref<2048xi32, #tpu.memory_space<vmem>>, vector<16xi32>,
    %get3A_135 = arith.constant 432 : index
    %get3A_136 = tpu.vector_load %arg6[%get3A_135] {strides = array<i32>} : memref<2048xi32, #tpu.memory_space<vmem>>, vector<16xi32>,
    %gather3A_137 = tpu.vector_load_idx %arg5[%get3A_136] : memref<128xi32, #tpu.memory_space<vmem>>[vector<16xi32>], vector<16xi32>,
    %swap3A_138 = arith.constant 432 : index
    %swap3A_139 = tpu.vector_load %arg7[%swap3A_138] {strides = array<i32>} : memref<2048xi32, #tpu.memory_space<vmem>>, vector<16xi32>,
    tpu.vector_store %arg7[%swap3A_138], %gather3A_137 {strides = array<i32>} : memref<2048xi32, #tpu.memory_space<vmem>>, vector<16xi32>,
    %get3A_140 = arith.constant 448 : index
    %get3A_141 = tpu.vector_load %arg6[%get3A_140] {strides = array<i32>} : memref<2048xi32, #tpu.memory_space<vmem>>, vector<16xi32>,
    %gather3A_142 = tpu.vector_load_idx %arg5[%get3A_141] : memref<128xi32, #tpu.memory_space<vmem>>[vector<16xi32>], vector<16xi32>,
    %swap3A_143 = arith.constant 448 : index
    %swap3A_144 = tpu.vector_load %arg7[%swap3A_143] {strides = array<i32>} : memref<2048xi32, #tpu.memory_space<vmem>>, vector<16xi32>,
    tpu.vector_store %arg7[%swap3A_143], %gather3A_142 {strides = array<i32>} : memref<2048xi32, #tpu.memory_space<vmem>>, vector<16xi32>,
    %get3A_145 = arith.constant 464 : index
    %get3A_146 = tpu.vector_load %arg6[%get3A_145] {strides = array<i32>} : memref<2048xi32, #tpu.memory_space<vmem>>, vector<16xi32>,
    %gather3A_147 = tpu.vector_load_idx %arg5[%get3A_146] : memref<128xi32, #tpu.memory_space<vmem>>[vector<16xi32>], vector<16xi32>,
    %swap3A_148 = arith.constant 464 : index
    %swap3A_149 = tpu.vector_load %arg7[%swap3A_148] {strides = array<i32>} : memref<2048xi32, #tpu.memory_space<vmem>>, vector<16xi32>,
    tpu.vector_store %arg7[%swap3A_148], %gather3A_147 {strides = array<i32>} : memref<2048xi32, #tpu.memory_space<vmem>>, vector<16xi32>,
    %get3A_150 = arith.constant 480 : index
    %get3A_151 = tpu.vector_load %arg6[%get3A_150] {strides = array<i32>} : memref<2048xi32, #tpu.memory_space<vmem>>, vector<16xi32>,
    %gather3A_152 = tpu.vector_load_idx %arg5[%get3A_151] : memref<128xi32, #tpu.memory_space<vmem>>[vector<16xi32>], vector<16xi32>,
    %swap3A_153 = arith.constant 480 : index
    %swap3A_154 = tpu.vector_load %arg7[%swap3A_153] {strides = array<i32>} : memref<2048xi32, #tpu.memory_space<vmem>>, vector<16xi32>,
    tpu.vector_store %arg7[%swap3A_153], %gather3A_152 {strides = array<i32>} : memref<2048xi32, #tpu.memory_space<vmem>>, vector<16xi32>,
    %get3A_155 = arith.constant 496 : index
    %get3A_156 = tpu.vector_load %arg6[%get3A_155] {strides = array<i32>} : memref<2048xi32, #tpu.memory_space<vmem>>, vector<16xi32>,
    %gather3A_157 = tpu.vector_load_idx %arg5[%get3A_156] : memref<128xi32, #tpu.memory_space<vmem>>[vector<16xi32>], vector<16xi32>,
    %swap3A_158 = arith.constant 496 : index
    %swap3A_159 = tpu.vector_load %arg7[%swap3A_158] {strides = array<i32>} : memref<2048xi32, #tpu.memory_space<vmem>>, vector<16xi32>,
    tpu.vector_store %arg7[%swap3A_158], %gather3A_157 {strides = array<i32>} : memref<2048xi32, #tpu.memory_space<vmem>>, vector<16xi32>,
    %get3A_160 = arith.constant 512 : index
    %get3A_161 = tpu.vector_load %arg6[%get3A_160] {strides = array<i32>} : memref<2048xi32, #tpu.memory_space<vmem>>, vector<16xi32>,
    %gather3A_162 = tpu.vector_load_idx %arg5[%get3A_161] : memref<128xi32, #tpu.memory_space<vmem>>[vector<16xi32>], vector<16xi32>,
    %swap3A_163 = arith.constant 512 : index
    %swap3A_164 = tpu.vector_load %arg7[%swap3A_163] {strides = array<i32>} : memref<2048xi32, #tpu.memory_space<vmem>>, vector<16xi32>,
    tpu.vector_store %arg7[%swap3A_163], %gather3A_162 {strides = array<i32>} : memref<2048xi32, #tpu.memory_space<vmem>>, vector<16xi32>,
    %get3A_165 = arith.constant 528 : index
    %get3A_166 = tpu.vector_load %arg6[%get3A_165] {strides = array<i32>} : memref<2048xi32, #tpu.memory_space<vmem>>, vector<16xi32>,
    %gather3A_167 = tpu.vector_load_idx %arg5[%get3A_166] : memref<128xi32, #tpu.memory_space<vmem>>[vector<16xi32>], vector<16xi32>,
    %swap3A_168 = arith.constant 528 : index
    %swap3A_169 = tpu.vector_load %arg7[%swap3A_168] {strides = array<i32>} : memref<2048xi32, #tpu.memory_space<vmem>>, vector<16xi32>,
    tpu.vector_store %arg7[%swap3A_168], %gather3A_167 {strides = array<i32>} : memref<2048xi32, #tpu.memory_space<vmem>>, vector<16xi32>,
    %get3A_170 = arith.constant 544 : index
    %get3A_171 = tpu.vector_load %arg6[%get3A_170] {strides = array<i32>} : memref<2048xi32, #tpu.memory_space<vmem>>, vector<16xi32>,
    %gather3A_172 = tpu.vector_load_idx %arg5[%get3A_171] : memref<128xi32, #tpu.memory_space<vmem>>[vector<16xi32>], vector<16xi32>,
    %swap3A_173 = arith.constant 544 : index
    %swap3A_174 = tpu.vector_load %arg7[%swap3A_173] {strides = array<i32>} : memref<2048xi32, #tpu.memory_space<vmem>>, vector<16xi32>,
    tpu.vector_store %arg7[%swap3A_173], %gather3A_172 {strides = array<i32>} : memref<2048xi32, #tpu.memory_space<vmem>>, vector<16xi32>,
    %get3A_175 = arith.constant 560 : index
    %get3A_176 = tpu.vector_load %arg6[%get3A_175] {strides = array<i32>} : memref<2048xi32, #tpu.memory_space<vmem>>, vector<16xi32>,
    %gather3A_177 = tpu.vector_load_idx %arg5[%get3A_176] : memref<128xi32, #tpu.memory_space<vmem>>[vector<16xi32>], vector<16xi32>,
    %swap3A_178 = arith.constant 560 : index
    %swap3A_179 = tpu.vector_load %arg7[%swap3A_178] {strides = array<i32>} : memref<2048xi32, #tpu.memory_space<vmem>>, vector<16xi32>,
    tpu.vector_store %arg7[%swap3A_178], %gather3A_177 {strides = array<i32>} : memref<2048xi32, #tpu.memory_space<vmem>>, vector<16xi32>,
    %get3A_180 = arith.constant 576 : index
    %get3A_181 = tpu.vector_load %arg6[%get3A_180] {strides = array<i32>} : memref<2048xi32, #tpu.memory_space<vmem>>, vector<16xi32>,
    %gather3A_182 = tpu.vector_load_idx %arg5[%get3A_181] : memref<128xi32, #tpu.memory_space<vmem>>[vector<16xi32>], vector<16xi32>,
    %swap3A_183 = arith.constant 576 : index
    %swap3A_184 = tpu.vector_load %arg7[%swap3A_183] {strides = array<i32>} : memref<2048xi32, #tpu.memory_space<vmem>>, vector<16xi32>,
    tpu.vector_store %arg7[%swap3A_183], %gather3A_182 {strides = array<i32>} : memref<2048xi32, #tpu.memory_space<vmem>>, vector<16xi32>,
    %get3A_185 = arith.constant 592 : index
    %get3A_186 = tpu.vector_load %arg6[%get3A_185] {strides = array<i32>} : memref<2048xi32, #tpu.memory_space<vmem>>, vector<16xi32>,
    %gather3A_187 = tpu.vector_load_idx %arg5[%get3A_186] : memref<128xi32, #tpu.memory_space<vmem>>[vector<16xi32>], vector<16xi32>,
    %swap3A_188 = arith.constant 592 : index
    %swap3A_189 = tpu.vector_load %arg7[%swap3A_188] {strides = array<i32>} : memref<2048xi32, #tpu.memory_space<vmem>>, vector<16xi32>,
    tpu.vector_store %arg7[%swap3A_188], %gather3A_187 {strides = array<i32>} : memref<2048xi32, #tpu.memory_space<vmem>>, vector<16xi32>,
    %get3A_190 = arith.constant 608 : index
    %get3A_191 = tpu.vector_load %arg6[%get3A_190] {strides = array<i32>} : memref<2048xi32, #tpu.memory_space<vmem>>, vector<16xi32>,
    %gather3A_192 = tpu.vector_load_idx %arg5[%get3A_191] : memref<128xi32, #tpu.memory_space<vmem>>[vector<16xi32>], vector<16xi32>,
    %swap3A_193 = arith.constant 608 : index
    %swap3A_194 = tpu.vector_load %arg7[%swap3A_193] {strides = array<i32>} : memref<2048xi32, #tpu.memory_space<vmem>>, vector<16xi32>,
    tpu.vector_store %arg7[%swap3A_193], %gather3A_192 {strides = array<i32>} : memref<2048xi32, #tpu.memory_space<vmem>>, vector<16xi32>,
    %get3A_195 = arith.constant 624 : index
    %get3A_196 = tpu.vector_load %arg6[%get3A_195] {strides = array<i32>} : memref<2048xi32, #tpu.memory_space<vmem>>, vector<16xi32>,
    %gather3A_197 = tpu.vector_load_idx %arg5[%get3A_196] : memref<128xi32, #tpu.memory_space<vmem>>[vector<16xi32>], vector<16xi32>,
    %swap3A_198 = arith.constant 624 : index
    %swap3A_199 = tpu.vector_load %arg7[%swap3A_198] {strides = array<i32>} : memref<2048xi32, #tpu.memory_space<vmem>>, vector<16xi32>,
    tpu.vector_store %arg7[%swap3A_198], %gather3A_197 {strides = array<i32>} : memref<2048xi32, #tpu.memory_space<vmem>>, vector<16xi32>,
    %get3A_200 = arith.constant 640 : index
    %get3A_201 = tpu.vector_load %arg6[%get3A_200] {strides = array<i32>} : memref<2048xi32, #tpu.memory_space<vmem>>, vector<16xi32>,
    %gather3A_202 = tpu.vector_load_idx %arg5[%get3A_201] : memref<128xi32, #tpu.memory_space<vmem>>[vector<16xi32>], vector<16xi32>,
    %swap3A_203 = arith.constant 640 : index
    %swap3A_204 = tpu.vector_load %arg7[%swap3A_203] {strides = array<i32>} : memref<2048xi32, #tpu.memory_space<vmem>>, vector<16xi32>,
    tpu.vector_store %arg7[%swap3A_203], %gather3A_202 {strides = array<i32>} : memref<2048xi32, #tpu.memory_space<vmem>>, vector<16xi32>,
    %get3A_205 = arith.constant 656 : index
    %get3A_206 = tpu.vector_load %arg6[%get3A_205] {strides = array<i32>} : memref<2048xi32, #tpu.memory_space<vmem>>, vector<16xi32>,
    %gather3A_207 = tpu.vector_load_idx %arg5[%get3A_206] : memref<128xi32, #tpu.memory_space<vmem>>[vector<16xi32>], vector<16xi32>,
    %swap3A_208 = arith.constant 656 : index
    %swap3A_209 = tpu.vector_load %arg7[%swap3A_208] {strides = array<i32>} : memref<2048xi32, #tpu.memory_space<vmem>>, vector<16xi32>,
    tpu.vector_store %arg7[%swap3A_208], %gather3A_207 {strides = array<i32>} : memref<2048xi32, #tpu.memory_space<vmem>>, vector<16xi32>,
    %get3A_210 = arith.constant 672 : index
    %get3A_211 = tpu.vector_load %arg6[%get3A_210] {strides = array<i32>} : memref<2048xi32, #tpu.memory_space<vmem>>, vector<16xi32>,
    %gather3A_212 = tpu.vector_load_idx %arg5[%get3A_211] : memref<128xi32, #tpu.memory_space<vmem>>[vector<16xi32>], vector<16xi32>,
    %swap3A_213 = arith.constant 672 : index
    %swap3A_214 = tpu.vector_load %arg7[%swap3A_213] {strides = array<i32>} : memref<2048xi32, #tpu.memory_space<vmem>>, vector<16xi32>,
    tpu.vector_store %arg7[%swap3A_213], %gather3A_212 {strides = array<i32>} : memref<2048xi32, #tpu.memory_space<vmem>>, vector<16xi32>,
    %get3A_215 = arith.constant 688 : index
    %get3A_216 = tpu.vector_load %arg6[%get3A_215] {strides = array<i32>} : memref<2048xi32, #tpu.memory_space<vmem>>, vector<16xi32>,
    %gather3A_217 = tpu.vector_load_idx %arg5[%get3A_216] : memref<128xi32, #tpu.memory_space<vmem>>[vector<16xi32>], vector<16xi32>,
    %swap3A_218 = arith.constant 688 : index
    %swap3A_219 = tpu.vector_load %arg7[%swap3A_218] {strides = array<i32>} : memref<2048xi32, #tpu.memory_space<vmem>>, vector<16xi32>,
    tpu.vector_store %arg7[%swap3A_218], %gather3A_217 {strides = array<i32>} : memref<2048xi32, #tpu.memory_space<vmem>>, vector<16xi32>,
    %get3A_220 = arith.constant 704 : index
    %get3A_221 = tpu.vector_load %arg6[%get3A_220] {strides = array<i32>} : memref<2048xi32, #tpu.memory_space<vmem>>, vector<16xi32>,
    %gather3A_222 = tpu.vector_load_idx %arg5[%get3A_221] : memref<128xi32, #tpu.memory_space<vmem>>[vector<16xi32>], vector<16xi32>,
    %swap3A_223 = arith.constant 704 : index
    %swap3A_224 = tpu.vector_load %arg7[%swap3A_223] {strides = array<i32>} : memref<2048xi32, #tpu.memory_space<vmem>>, vector<16xi32>,
    tpu.vector_store %arg7[%swap3A_223], %gather3A_222 {strides = array<i32>} : memref<2048xi32, #tpu.memory_space<vmem>>, vector<16xi32>,
    %get3A_225 = arith.constant 720 : index
    %get3A_226 = tpu.vector_load %arg6[%get3A_225] {strides = array<i32>} : memref<2048xi32, #tpu.memory_space<vmem>>, vector<16xi32>,
    %gather3A_227 = tpu.vector_load_idx %arg5[%get3A_226] : memref<128xi32, #tpu.memory_space<vmem>>[vector<16xi32>], vector<16xi32>,
    %swap3A_228 = arith.constant 720 : index
    %swap3A_229 = tpu.vector_load %arg7[%swap3A_228] {strides = array<i32>} : memref<2048xi32, #tpu.memory_space<vmem>>, vector<16xi32>,
    tpu.vector_store %arg7[%swap3A_228], %gather3A_227 {strides = array<i32>} : memref<2048xi32, #tpu.memory_space<vmem>>, vector<16xi32>,
    %get3A_230 = arith.constant 736 : index
    %get3A_231 = tpu.vector_load %arg6[%get3A_230] {strides = array<i32>} : memref<2048xi32, #tpu.memory_space<vmem>>, vector<16xi32>,
    %gather3A_232 = tpu.vector_load_idx %arg5[%get3A_231] : memref<128xi32, #tpu.memory_space<vmem>>[vector<16xi32>], vector<16xi32>,
    %swap3A_233 = arith.constant 736 : index
    %swap3A_234 = tpu.vector_load %arg7[%swap3A_233] {strides = array<i32>} : memref<2048xi32, #tpu.memory_space<vmem>>, vector<16xi32>,
    tpu.vector_store %arg7[%swap3A_233], %gather3A_232 {strides = array<i32>} : memref<2048xi32, #tpu.memory_space<vmem>>, vector<16xi32>,
    %get3A_235 = arith.constant 752 : index
    %get3A_236 = tpu.vector_load %arg6[%get3A_235] {strides = array<i32>} : memref<2048xi32, #tpu.memory_space<vmem>>, vector<16xi32>,
    %gather3A_237 = tpu.vector_load_idx %arg5[%get3A_236] : memref<128xi32, #tpu.memory_space<vmem>>[vector<16xi32>], vector<16xi32>,
    %swap3A_238 = arith.constant 752 : index
    %swap3A_239 = tpu.vector_load %arg7[%swap3A_238] {strides = array<i32>} : memref<2048xi32, #tpu.memory_space<vmem>>, vector<16xi32>,
    tpu.vector_store %arg7[%swap3A_238], %gather3A_237 {strides = array<i32>} : memref<2048xi32, #tpu.memory_space<vmem>>, vector<16xi32>,
    %get3A_240 = arith.constant 768 : index
    %get3A_241 = tpu.vector_load %arg6[%get3A_240] {strides = array<i32>} : memref<2048xi32, #tpu.memory_space<vmem>>, vector<16xi32>,
    %gather3A_242 = tpu.vector_load_idx %arg5[%get3A_241] : memref<128xi32, #tpu.memory_space<vmem>>[vector<16xi32>], vector<16xi32>,
    %swap3A_243 = arith.constant 768 : index
    %swap3A_244 = tpu.vector_load %arg7[%swap3A_243] {strides = array<i32>} : memref<2048xi32, #tpu.memory_space<vmem>>, vector<16xi32>,
    tpu.vector_store %arg7[%swap3A_243], %gather3A_242 {strides = array<i32>} : memref<2048xi32, #tpu.memory_space<vmem>>, vector<16xi32>,
    %get3A_245 = arith.constant 784 : index
    %get3A_246 = tpu.vector_load %arg6[%get3A_245] {strides = array<i32>} : memref<2048xi32, #tpu.memory_space<vmem>>, vector<16xi32>,
    %gather3A_247 = tpu.vector_load_idx %arg5[%get3A_246] : memref<128xi32, #tpu.memory_space<vmem>>[vector<16xi32>], vector<16xi32>,
    %swap3A_248 = arith.constant 784 : index
    %swap3A_249 = tpu.vector_load %arg7[%swap3A_248] {strides = array<i32>} : memref<2048xi32, #tpu.memory_space<vmem>>, vector<16xi32>,
    tpu.vector_store %arg7[%swap3A_248], %gather3A_247 {strides = array<i32>} : memref<2048xi32, #tpu.memory_space<vmem>>, vector<16xi32>,
    %get3A_250 = arith.constant 800 : index
    %get3A_251 = tpu.vector_load %arg6[%get3A_250] {strides = array<i32>} : memref<2048xi32, #tpu.memory_space<vmem>>, vector<16xi32>,
    %gather3A_252 = tpu.vector_load_idx %arg5[%get3A_251] : memref<128xi32, #tpu.memory_space<vmem>>[vector<16xi32>], vector<16xi32>,
    %swap3A_253 = arith.constant 800 : index
    %swap3A_254 = tpu.vector_load %arg7[%swap3A_253] {strides = array<i32>} : memref<2048xi32, #tpu.memory_space<vmem>>, vector<16xi32>,
    tpu.vector_store %arg7[%swap3A_253], %gather3A_252 {strides = array<i32>} : memref<2048xi32, #tpu.memory_space<vmem>>, vector<16xi32>,
    %get3A_255 = arith.constant 816 : index
    %get3A_256 = tpu.vector_load %arg6[%get3A_255] {strides = array<i32>} : memref<2048xi32, #tpu.memory_space<vmem>>, vector<16xi32>,
    %gather3A_257 = tpu.vector_load_idx %arg5[%get3A_256] : memref<128xi32, #tpu.memory_space<vmem>>[vector<16xi32>], vector<16xi32>,
    %swap3A_258 = arith.constant 816 : index
    %swap3A_259 = tpu.vector_load %arg7[%swap3A_258] {strides = array<i32>} : memref<2048xi32, #tpu.memory_space<vmem>>, vector<16xi32>,
    tpu.vector_store %arg7[%swap3A_258], %gather3A_257 {strides = array<i32>} : memref<2048xi32, #tpu.memory_space<vmem>>, vector<16xi32>,
    %get3A_260 = arith.constant 832 : index
    %get3A_261 = tpu.vector_load %arg6[%get3A_260] {strides = array<i32>} : memref<2048xi32, #tpu.memory_space<vmem>>, vector<16xi32>,
    %gather3A_262 = tpu.vector_load_idx %arg5[%get3A_261] : memref<128xi32, #tpu.memory_space<vmem>>[vector<16xi32>], vector<16xi32>,
    %swap3A_263 = arith.constant 832 : index
    %swap3A_264 = tpu.vector_load %arg7[%swap3A_263] {strides = array<i32>} : memref<2048xi32, #tpu.memory_space<vmem>>, vector<16xi32>,
    tpu.vector_store %arg7[%swap3A_263], %gather3A_262 {strides = array<i32>} : memref<2048xi32, #tpu.memory_space<vmem>>, vector<16xi32>,
    %get3A_265 = arith.constant 848 : index
    %get3A_266 = tpu.vector_load %arg6[%get3A_265] {strides = array<i32>} : memref<2048xi32, #tpu.memory_space<vmem>>, vector<16xi32>,
    %gather3A_267 = tpu.vector_load_idx %arg5[%get3A_266] : memref<128xi32, #tpu.memory_space<vmem>>[vector<16xi32>], vector<16xi32>,
    %swap3A_268 = arith.constant 848 : index
    %swap3A_269 = tpu.vector_load %arg7[%swap3A_268] {strides = array<i32>} : memref<2048xi32, #tpu.memory_space<vmem>>, vector<16xi32>,
    tpu.vector_store %arg7[%swap3A_268], %gather3A_267 {strides = array<i32>} : memref<2048xi32, #tpu.memory_space<vmem>>, vector<16xi32>,
    %get3A_270 = arith.constant 864 : index
    %get3A_271 = tpu.vector_load %arg6[%get3A_270] {strides = array<i32>} : memref<2048xi32, #tpu.memory_space<vmem>>, vector<16xi32>,
    %gather3A_272 = tpu.vector_load_idx %arg5[%get3A_271] : memref<128xi32, #tpu.memory_space<vmem>>[vector<16xi32>], vector<16xi32>,
    %swap3A_273 = arith.constant 864 : index
    %swap3A_274 = tpu.vector_load %arg7[%swap3A_273] {strides = array<i32>} : memref<2048xi32, #tpu.memory_space<vmem>>, vector<16xi32>,
    tpu.vector_store %arg7[%swap3A_273], %gather3A_272 {strides = array<i32>} : memref<2048xi32, #tpu.memory_space<vmem>>, vector<16xi32>,
    %get3A_275 = arith.constant 880 : index
    %get3A_276 = tpu.vector_load %arg6[%get3A_275] {strides = array<i32>} : memref<2048xi32, #tpu.memory_space<vmem>>, vector<16xi32>,
    %gather3A_277 = tpu.vector_load_idx %arg5[%get3A_276] : memref<128xi32, #tpu.memory_space<vmem>>[vector<16xi32>], vector<16xi32>,
    %swap3A_278 = arith.constant 880 : index
    %swap3A_279 = tpu.vector_load %arg7[%swap3A_278] {strides = array<i32>} : memref<2048xi32, #tpu.memory_space<vmem>>, vector<16xi32>,
    tpu.vector_store %arg7[%swap3A_278], %gather3A_277 {strides = array<i32>} : memref<2048xi32, #tpu.memory_space<vmem>>, vector<16xi32>,
    %get3A_280 = arith.constant 896 : index
    %get3A_281 = tpu.vector_load %arg6[%get3A_280] {strides = array<i32>} : memref<2048xi32, #tpu.memory_space<vmem>>, vector<16xi32>,
    %gather3A_282 = tpu.vector_load_idx %arg5[%get3A_281] : memref<128xi32, #tpu.memory_space<vmem>>[vector<16xi32>], vector<16xi32>,
    %swap3A_283 = arith.constant 896 : index
    %swap3A_284 = tpu.vector_load %arg7[%swap3A_283] {strides = array<i32>} : memref<2048xi32, #tpu.memory_space<vmem>>, vector<16xi32>,
    tpu.vector_store %arg7[%swap3A_283], %gather3A_282 {strides = array<i32>} : memref<2048xi32, #tpu.memory_space<vmem>>, vector<16xi32>,
    %get3A_285 = arith.constant 912 : index
    %get3A_286 = tpu.vector_load %arg6[%get3A_285] {strides = array<i32>} : memref<2048xi32, #tpu.memory_space<vmem>>, vector<16xi32>,
    %gather3A_287 = tpu.vector_load_idx %arg5[%get3A_286] : memref<128xi32, #tpu.memory_space<vmem>>[vector<16xi32>], vector<16xi32>,
    %swap3A_288 = arith.constant 912 : index
    %swap3A_289 = tpu.vector_load %arg7[%swap3A_288] {strides = array<i32>} : memref<2048xi32, #tpu.memory_space<vmem>>, vector<16xi32>,
    tpu.vector_store %arg7[%swap3A_288], %gather3A_287 {strides = array<i32>} : memref<2048xi32, #tpu.memory_space<vmem>>, vector<16xi32>,
    %get3A_290 = arith.constant 928 : index
    %get3A_291 = tpu.vector_load %arg6[%get3A_290] {strides = array<i32>} : memref<2048xi32, #tpu.memory_space<vmem>>, vector<16xi32>,
    %gather3A_292 = tpu.vector_load_idx %arg5[%get3A_291] : memref<128xi32, #tpu.memory_space<vmem>>[vector<16xi32>], vector<16xi32>,
    %swap3A_293 = arith.constant 928 : index
    %swap3A_294 = tpu.vector_load %arg7[%swap3A_293] {strides = array<i32>} : memref<2048xi32, #tpu.memory_space<vmem>>, vector<16xi32>,
    tpu.vector_store %arg7[%swap3A_293], %gather3A_292 {strides = array<i32>} : memref<2048xi32, #tpu.memory_space<vmem>>, vector<16xi32>,
    %get3A_295 = arith.constant 944 : index
    %get3A_296 = tpu.vector_load %arg6[%get3A_295] {strides = array<i32>} : memref<2048xi32, #tpu.memory_space<vmem>>, vector<16xi32>,
    %gather3A_297 = tpu.vector_load_idx %arg5[%get3A_296] : memref<128xi32, #tpu.memory_space<vmem>>[vector<16xi32>], vector<16xi32>,
    %swap3A_298 = arith.constant 944 : index
    %swap3A_299 = tpu.vector_load %arg7[%swap3A_298] {strides = array<i32>} : memref<2048xi32, #tpu.memory_space<vmem>>, vector<16xi32>,
    tpu.vector_store %arg7[%swap3A_298], %gather3A_297 {strides = array<i32>} : memref<2048xi32, #tpu.memory_space<vmem>>, vector<16xi32>,
    %get3A_300 = arith.constant 960 : index
    %get3A_301 = tpu.vector_load %arg6[%get3A_300] {strides = array<i32>} : memref<2048xi32, #tpu.memory_space<vmem>>, vector<16xi32>,
    %gather3A_302 = tpu.vector_load_idx %arg5[%get3A_301] : memref<128xi32, #tpu.memory_space<vmem>>[vector<16xi32>], vector<16xi32>,
    %swap3A_303 = arith.constant 960 : index
    %swap3A_304 = tpu.vector_load %arg7[%swap3A_303] {strides = array<i32>} : memref<2048xi32, #tpu.memory_space<vmem>>, vector<16xi32>,
    tpu.vector_store %arg7[%swap3A_303], %gather3A_302 {strides = array<i32>} : memref<2048xi32, #tpu.memory_space<vmem>>, vector<16xi32>,
    %get3A_305 = arith.constant 976 : index
    %get3A_306 = tpu.vector_load %arg6[%get3A_305] {strides = array<i32>} : memref<2048xi32, #tpu.memory_space<vmem>>, vector<16xi32>,
    %gather3A_307 = tpu.vector_load_idx %arg5[%get3A_306] : memref<128xi32, #tpu.memory_space<vmem>>[vector<16xi32>], vector<16xi32>,
    %swap3A_308 = arith.constant 976 : index
    %swap3A_309 = tpu.vector_load %arg7[%swap3A_308] {strides = array<i32>} : memref<2048xi32, #tpu.memory_space<vmem>>, vector<16xi32>,
    tpu.vector_store %arg7[%swap3A_308], %gather3A_307 {strides = array<i32>} : memref<2048xi32, #tpu.memory_space<vmem>>, vector<16xi32>,
    %get3A_310 = arith.constant 992 : index
    %get3A_311 = tpu.vector_load %arg6[%get3A_310] {strides = array<i32>} : memref<2048xi32, #tpu.memory_space<vmem>>, vector<16xi32>,
    %gather3A_312 = tpu.vector_load_idx %arg5[%get3A_311] : memref<128xi32, #tpu.memory_space<vmem>>[vector<16xi32>], vector<16xi32>,
    %swap3A_313 = arith.constant 992 : index
    %swap3A_314 = tpu.vector_load %arg7[%swap3A_313] {strides = array<i32>} : memref<2048xi32, #tpu.memory_space<vmem>>, vector<16xi32>,
    tpu.vector_store %arg7[%swap3A_313], %gather3A_312 {strides = array<i32>} : memref<2048xi32, #tpu.memory_space<vmem>>, vector<16xi32>,
    %get3A_315 = arith.constant 1008 : index
    %get3A_316 = tpu.vector_load %arg6[%get3A_315] {strides = array<i32>} : memref<2048xi32, #tpu.memory_space<vmem>>, vector<16xi32>,
    %gather3A_317 = tpu.vector_load_idx %arg5[%get3A_316] : memref<128xi32, #tpu.memory_space<vmem>>[vector<16xi32>], vector<16xi32>,
    %swap3A_318 = arith.constant 1008 : index
    %swap3A_319 = tpu.vector_load %arg7[%swap3A_318] {strides = array<i32>} : memref<2048xi32, #tpu.memory_space<vmem>>, vector<16xi32>,
    tpu.vector_store %arg7[%swap3A_318], %gather3A_317 {strides = array<i32>} : memref<2048xi32, #tpu.memory_space<vmem>>, vector<16xi32>,
    %get3A_320 = arith.constant 1024 : index
    %get3A_321 = tpu.vector_load %arg6[%get3A_320] {strides = array<i32>} : memref<2048xi32, #tpu.memory_space<vmem>>, vector<16xi32>,
    %gather3A_322 = tpu.vector_load_idx %arg5[%get3A_321] : memref<128xi32, #tpu.memory_space<vmem>>[vector<16xi32>], vector<16xi32>,
    %swap3A_323 = arith.constant 1024 : index
    %swap3A_324 = tpu.vector_load %arg7[%swap3A_323] {strides = array<i32>} : memref<2048xi32, #tpu.memory_space<vmem>>, vector<16xi32>,
    tpu.vector_store %arg7[%swap3A_323], %gather3A_322 {strides = array<i32>} : memref<2048xi32, #tpu.memory_space<vmem>>, vector<16xi32>,
    %get3A_325 = arith.constant 1040 : index
    %get3A_326 = tpu.vector_load %arg6[%get3A_325] {strides = array<i32>} : memref<2048xi32, #tpu.memory_space<vmem>>, vector<16xi32>,
    %gather3A_327 = tpu.vector_load_idx %arg5[%get3A_326] : memref<128xi32, #tpu.memory_space<vmem>>[vector<16xi32>], vector<16xi32>,
    %swap3A_328 = arith.constant 1040 : index
    %swap3A_329 = tpu.vector_load %arg7[%swap3A_328] {strides = array<i32>} : memref<2048xi32, #tpu.memory_space<vmem>>, vector<16xi32>,
    tpu.vector_store %arg7[%swap3A_328], %gather3A_327 {strides = array<i32>} : memref<2048xi32, #tpu.memory_space<vmem>>, vector<16xi32>,
    %get3A_330 = arith.constant 1056 : index
    %get3A_331 = tpu.vector_load %arg6[%get3A_330] {strides = array<i32>} : memref<2048xi32, #tpu.memory_space<vmem>>, vector<16xi32>,
    %gather3A_332 = tpu.vector_load_idx %arg5[%get3A_331] : memref<128xi32, #tpu.memory_space<vmem>>[vector<16xi32>], vector<16xi32>,
    %swap3A_333 = arith.constant 1056 : index
    %swap3A_334 = tpu.vector_load %arg7[%swap3A_333] {strides = array<i32>} : memref<2048xi32, #tpu.memory_space<vmem>>, vector<16xi32>,
    tpu.vector_store %arg7[%swap3A_333], %gather3A_332 {strides = array<i32>} : memref<2048xi32, #tpu.memory_space<vmem>>, vector<16xi32>,
    %get3A_335 = arith.constant 1072 : index
    %get3A_336 = tpu.vector_load %arg6[%get3A_335] {strides = array<i32>} : memref<2048xi32, #tpu.memory_space<vmem>>, vector<16xi32>,
    %gather3A_337 = tpu.vector_load_idx %arg5[%get3A_336] : memref<128xi32, #tpu.memory_space<vmem>>[vector<16xi32>], vector<16xi32>,
    %swap3A_338 = arith.constant 1072 : index
    %swap3A_339 = tpu.vector_load %arg7[%swap3A_338] {strides = array<i32>} : memref<2048xi32, #tpu.memory_space<vmem>>, vector<16xi32>,
    tpu.vector_store %arg7[%swap3A_338], %gather3A_337 {strides = array<i32>} : memref<2048xi32, #tpu.memory_space<vmem>>, vector<16xi32>,
    %get3A_340 = arith.constant 1088 : index
    %get3A_341 = tpu.vector_load %arg6[%get3A_340] {strides = array<i32>} : memref<2048xi32, #tpu.memory_space<vmem>>, vector<16xi32>,
    %gather3A_342 = tpu.vector_load_idx %arg5[%get3A_341] : memref<128xi32, #tpu.memory_space<vmem>>[vector<16xi32>], vector<16xi32>,
    %swap3A_343 = arith.constant 1088 : index
    %swap3A_344 = tpu.vector_load %arg7[%swap3A_343] {strides = array<i32>} : memref<2048xi32, #tpu.memory_space<vmem>>, vector<16xi32>,
    tpu.vector_store %arg7[%swap3A_343], %gather3A_342 {strides = array<i32>} : memref<2048xi32, #tpu.memory_space<vmem>>, vector<16xi32>,
    %get3A_345 = arith.constant 1104 : index
    %get3A_346 = tpu.vector_load %arg6[%get3A_345] {strides = array<i32>} : memref<2048xi32, #tpu.memory_space<vmem>>, vector<16xi32>,
    %gather3A_347 = tpu.vector_load_idx %arg5[%get3A_346] : memref<128xi32, #tpu.memory_space<vmem>>[vector<16xi32>], vector<16xi32>,
    %swap3A_348 = arith.constant 1104 : index
    %swap3A_349 = tpu.vector_load %arg7[%swap3A_348] {strides = array<i32>} : memref<2048xi32, #tpu.memory_space<vmem>>, vector<16xi32>,
    tpu.vector_store %arg7[%swap3A_348], %gather3A_347 {strides = array<i32>} : memref<2048xi32, #tpu.memory_space<vmem>>, vector<16xi32>,
    %get3A_350 = arith.constant 1120 : index
    %get3A_351 = tpu.vector_load %arg6[%get3A_350] {strides = array<i32>} : memref<2048xi32, #tpu.memory_space<vmem>>, vector<16xi32>,
    %gather3A_352 = tpu.vector_load_idx %arg5[%get3A_351] : memref<128xi32, #tpu.memory_space<vmem>>[vector<16xi32>], vector<16xi32>,
    %swap3A_353 = arith.constant 1120 : index
    %swap3A_354 = tpu.vector_load %arg7[%swap3A_353] {strides = array<i32>} : memref<2048xi32, #tpu.memory_space<vmem>>, vector<16xi32>,
    tpu.vector_store %arg7[%swap3A_353], %gather3A_352 {strides = array<i32>} : memref<2048xi32, #tpu.memory_space<vmem>>, vector<16xi32>,
    %get3A_355 = arith.constant 1136 : index
    %get3A_356 = tpu.vector_load %arg6[%get3A_355] {strides = array<i32>} : memref<2048xi32, #tpu.memory_space<vmem>>, vector<16xi32>,
    %gather3A_357 = tpu.vector_load_idx %arg5[%get3A_356] : memref<128xi32, #tpu.memory_space<vmem>>[vector<16xi32>], vector<16xi32>,
    %swap3A_358 = arith.constant 1136 : index
    %swap3A_359 = tpu.vector_load %arg7[%swap3A_358] {strides = array<i32>} : memref<2048xi32, #tpu.memory_space<vmem>>, vector<16xi32>,
    tpu.vector_store %arg7[%swap3A_358], %gather3A_357 {strides = array<i32>} : memref<2048xi32, #tpu.memory_space<vmem>>, vector<16xi32>,
    %get3A_360 = arith.constant 1152 : index
    %get3A_361 = tpu.vector_load %arg6[%get3A_360] {strides = array<i32>} : memref<2048xi32, #tpu.memory_space<vmem>>, vector<16xi32>,
    %gather3A_362 = tpu.vector_load_idx %arg5[%get3A_361] : memref<128xi32, #tpu.memory_space<vmem>>[vector<16xi32>], vector<16xi32>,
    %swap3A_363 = arith.constant 1152 : index
    %swap3A_364 = tpu.vector_load %arg7[%swap3A_363] {strides = array<i32>} : memref<2048xi32, #tpu.memory_space<vmem>>, vector<16xi32>,
    tpu.vector_store %arg7[%swap3A_363], %gather3A_362 {strides = array<i32>} : memref<2048xi32, #tpu.memory_space<vmem>>, vector<16xi32>,
    %get3A_365 = arith.constant 1168 : index
    %get3A_366 = tpu.vector_load %arg6[%get3A_365] {strides = array<i32>} : memref<2048xi32, #tpu.memory_space<vmem>>, vector<16xi32>,
    %gather3A_367 = tpu.vector_load_idx %arg5[%get3A_366] : memref<128xi32, #tpu.memory_space<vmem>>[vector<16xi32>], vector<16xi32>,
    %swap3A_368 = arith.constant 1168 : index
    %swap3A_369 = tpu.vector_load %arg7[%swap3A_368] {strides = array<i32>} : memref<2048xi32, #tpu.memory_space<vmem>>, vector<16xi32>,
    tpu.vector_store %arg7[%swap3A_368], %gather3A_367 {strides = array<i32>} : memref<2048xi32, #tpu.memory_space<vmem>>, vector<16xi32>,
    %get3A_370 = arith.constant 1184 : index
    %get3A_371 = tpu.vector_load %arg6[%get3A_370] {strides = array<i32>} : memref<2048xi32, #tpu.memory_space<vmem>>, vector<16xi32>,
    %gather3A_372 = tpu.vector_load_idx %arg5[%get3A_371] : memref<128xi32, #tpu.memory_space<vmem>>[vector<16xi32>], vector<16xi32>,
    %swap3A_373 = arith.constant 1184 : index
    %swap3A_374 = tpu.vector_load %arg7[%swap3A_373] {strides = array<i32>} : memref<2048xi32, #tpu.memory_space<vmem>>, vector<16xi32>,
    tpu.vector_store %arg7[%swap3A_373], %gather3A_372 {strides = array<i32>} : memref<2048xi32, #tpu.memory_space<vmem>>, vector<16xi32>,
    %get3A_375 = arith.constant 1200 : index
    %get3A_376 = tpu.vector_load %arg6[%get3A_375] {strides = array<i32>} : memref<2048xi32, #tpu.memory_space<vmem>>, vector<16xi32>,
    %gather3A_377 = tpu.vector_load_idx %arg5[%get3A_376] : memref<128xi32, #tpu.memory_space<vmem>>[vector<16xi32>], vector<16xi32>,
    %swap3A_378 = arith.constant 1200 : index
    %swap3A_379 = tpu.vector_load %arg7[%swap3A_378] {strides = array<i32>} : memref<2048xi32, #tpu.memory_space<vmem>>, vector<16xi32>,
    tpu.vector_store %arg7[%swap3A_378], %gather3A_377 {strides = array<i32>} : memref<2048xi32, #tpu.memory_space<vmem>>, vector<16xi32>,
    %get3A_380 = arith.constant 1216 : index
    %get3A_381 = tpu.vector_load %arg6[%get3A_380] {strides = array<i32>} : memref<2048xi32, #tpu.memory_space<vmem>>, vector<16xi32>,
    %gather3A_382 = tpu.vector_load_idx %arg5[%get3A_381] : memref<128xi32, #tpu.memory_space<vmem>>[vector<16xi32>], vector<16xi32>,
    %swap3A_383 = arith.constant 1216 : index
    %swap3A_384 = tpu.vector_load %arg7[%swap3A_383] {strides = array<i32>} : memref<2048xi32, #tpu.memory_space<vmem>>, vector<16xi32>,
    tpu.vector_store %arg7[%swap3A_383], %gather3A_382 {strides = array<i32>} : memref<2048xi32, #tpu.memory_space<vmem>>, vector<16xi32>,
    %get3A_385 = arith.constant 1232 : index
    %get3A_386 = tpu.vector_load %arg6[%get3A_385] {strides = array<i32>} : memref<2048xi32, #tpu.memory_space<vmem>>, vector<16xi32>,
    %gather3A_387 = tpu.vector_load_idx %arg5[%get3A_386] : memref<128xi32, #tpu.memory_space<vmem>>[vector<16xi32>], vector<16xi32>,
    %swap3A_388 = arith.constant 1232 : index
    %swap3A_389 = tpu.vector_load %arg7[%swap3A_388] {strides = array<i32>} : memref<2048xi32, #tpu.memory_space<vmem>>, vector<16xi32>,
    tpu.vector_store %arg7[%swap3A_388], %gather3A_387 {strides = array<i32>} : memref<2048xi32, #tpu.memory_space<vmem>>, vector<16xi32>,
    %get3A_390 = arith.constant 1248 : index
    %get3A_391 = tpu.vector_load %arg6[%get3A_390] {strides = array<i32>} : memref<2048xi32, #tpu.memory_space<vmem>>, vector<16xi32>,
    %gather3A_392 = tpu.vector_load_idx %arg5[%get3A_391] : memref<128xi32, #tpu.memory_space<vmem>>[vector<16xi32>], vector<16xi32>,
    %swap3A_393 = arith.constant 1248 : index
    %swap3A_394 = tpu.vector_load %arg7[%swap3A_393] {strides = array<i32>} : memref<2048xi32, #tpu.memory_space<vmem>>, vector<16xi32>,
    tpu.vector_store %arg7[%swap3A_393], %gather3A_392 {strides = array<i32>} : memref<2048xi32, #tpu.memory_space<vmem>>, vector<16xi32>,
    %get3A_395 = arith.constant 1264 : index
    %get3A_396 = tpu.vector_load %arg6[%get3A_395] {strides = array<i32>} : memref<2048xi32, #tpu.memory_space<vmem>>, vector<16xi32>,
    %gather3A_397 = tpu.vector_load_idx %arg5[%get3A_396] : memref<128xi32, #tpu.memory_space<vmem>>[vector<16xi32>], vector<16xi32>,
    %swap3A_398 = arith.constant 1264 : index
    %swap3A_399 = tpu.vector_load %arg7[%swap3A_398] {strides = array<i32>} : memref<2048xi32, #tpu.memory_space<vmem>>, vector<16xi32>,
    tpu.vector_store %arg7[%swap3A_398], %gather3A_397 {strides = array<i32>} : memref<2048xi32, #tpu.memory_space<vmem>>, vector<16xi32>,
    %get3A_400 = arith.constant 1280 : index
    %get3A_401 = tpu.vector_load %arg6[%get3A_400] {strides = array<i32>} : memref<2048xi32, #tpu.memory_space<vmem>>, vector<16xi32>,
    %gather3A_402 = tpu.vector_load_idx %arg5[%get3A_401] : memref<128xi32, #tpu.memory_space<vmem>>[vector<16xi32>], vector<16xi32>,
    %swap3A_403 = arith.constant 1280 : index
    %swap3A_404 = tpu.vector_load %arg7[%swap3A_403] {strides = array<i32>} : memref<2048xi32, #tpu.memory_space<vmem>>, vector<16xi32>,
    tpu.vector_store %arg7[%swap3A_403], %gather3A_402 {strides = array<i32>} : memref<2048xi32, #tpu.memory_space<vmem>>, vector<16xi32>,
    %get3A_405 = arith.constant 1296 : index
    %get3A_406 = tpu.vector_load %arg6[%get3A_405] {strides = array<i32>} : memref<2048xi32, #tpu.memory_space<vmem>>, vector<16xi32>,
    %gather3A_407 = tpu.vector_load_idx %arg5[%get3A_406] : memref<128xi32, #tpu.memory_space<vmem>>[vector<16xi32>], vector<16xi32>,
    %swap3A_408 = arith.constant 1296 : index
    %swap3A_409 = tpu.vector_load %arg7[%swap3A_408] {strides = array<i32>} : memref<2048xi32, #tpu.memory_space<vmem>>, vector<16xi32>,
    tpu.vector_store %arg7[%swap3A_408], %gather3A_407 {strides = array<i32>} : memref<2048xi32, #tpu.memory_space<vmem>>, vector<16xi32>,
    %get3A_410 = arith.constant 1312 : index
    %get3A_411 = tpu.vector_load %arg6[%get3A_410] {strides = array<i32>} : memref<2048xi32, #tpu.memory_space<vmem>>, vector<16xi32>,
    %gather3A_412 = tpu.vector_load_idx %arg5[%get3A_411] : memref<128xi32, #tpu.memory_space<vmem>>[vector<16xi32>], vector<16xi32>,
    %swap3A_413 = arith.constant 1312 : index
    %swap3A_414 = tpu.vector_load %arg7[%swap3A_413] {strides = array<i32>} : memref<2048xi32, #tpu.memory_space<vmem>>, vector<16xi32>,
    tpu.vector_store %arg7[%swap3A_413], %gather3A_412 {strides = array<i32>} : memref<2048xi32, #tpu.memory_space<vmem>>, vector<16xi32>,
    %get3A_415 = arith.constant 1328 : index
    %get3A_416 = tpu.vector_load %arg6[%get3A_415] {strides = array<i32>} : memref<2048xi32, #tpu.memory_space<vmem>>, vector<16xi32>,
    %gather3A_417 = tpu.vector_load_idx %arg5[%get3A_416] : memref<128xi32, #tpu.memory_space<vmem>>[vector<16xi32>], vector<16xi32>,
    %swap3A_418 = arith.constant 1328 : index
    %swap3A_419 = tpu.vector_load %arg7[%swap3A_418] {strides = array<i32>} : memref<2048xi32, #tpu.memory_space<vmem>>, vector<16xi32>,
    tpu.vector_store %arg7[%swap3A_418], %gather3A_417 {strides = array<i32>} : memref<2048xi32, #tpu.memory_space<vmem>>, vector<16xi32>,
    %get3A_420 = arith.constant 1344 : index
    %get3A_421 = tpu.vector_load %arg6[%get3A_420] {strides = array<i32>} : memref<2048xi32, #tpu.memory_space<vmem>>, vector<16xi32>,
    %gather3A_422 = tpu.vector_load_idx %arg5[%get3A_421] : memref<128xi32, #tpu.memory_space<vmem>>[vector<16xi32>], vector<16xi32>,
    %swap3A_423 = arith.constant 1344 : index
    %swap3A_424 = tpu.vector_load %arg7[%swap3A_423] {strides = array<i32>} : memref<2048xi32, #tpu.memory_space<vmem>>, vector<16xi32>,
    tpu.vector_store %arg7[%swap3A_423], %gather3A_422 {strides = array<i32>} : memref<2048xi32, #tpu.memory_space<vmem>>, vector<16xi32>,
    %get3A_425 = arith.constant 1360 : index
    %get3A_426 = tpu.vector_load %arg6[%get3A_425] {strides = array<i32>} : memref<2048xi32, #tpu.memory_space<vmem>>, vector<16xi32>,
    %gather3A_427 = tpu.vector_load_idx %arg5[%get3A_426] : memref<128xi32, #tpu.memory_space<vmem>>[vector<16xi32>], vector<16xi32>,
    %swap3A_428 = arith.constant 1360 : index
    %swap3A_429 = tpu.vector_load %arg7[%swap3A_428] {strides = array<i32>} : memref<2048xi32, #tpu.memory_space<vmem>>, vector<16xi32>,
    tpu.vector_store %arg7[%swap3A_428], %gather3A_427 {strides = array<i32>} : memref<2048xi32, #tpu.memory_space<vmem>>, vector<16xi32>,
    %get3A_430 = arith.constant 1376 : index
    %get3A_431 = tpu.vector_load %arg6[%get3A_430] {strides = array<i32>} : memref<2048xi32, #tpu.memory_space<vmem>>, vector<16xi32>,
    %gather3A_432 = tpu.vector_load_idx %arg5[%get3A_431] : memref<128xi32, #tpu.memory_space<vmem>>[vector<16xi32>], vector<16xi32>,
    %swap3A_433 = arith.constant 1376 : index
    %swap3A_434 = tpu.vector_load %arg7[%swap3A_433] {strides = array<i32>} : memref<2048xi32, #tpu.memory_space<vmem>>, vector<16xi32>,
    tpu.vector_store %arg7[%swap3A_433], %gather3A_432 {strides = array<i32>} : memref<2048xi32, #tpu.memory_space<vmem>>, vector<16xi32>,
    %get3A_435 = arith.constant 1392 : index
    %get3A_436 = tpu.vector_load %arg6[%get3A_435] {strides = array<i32>} : memref<2048xi32, #tpu.memory_space<vmem>>, vector<16xi32>,
    %gather3A_437 = tpu.vector_load_idx %arg5[%get3A_436] : memref<128xi32, #tpu.memory_space<vmem>>[vector<16xi32>], vector<16xi32>,
    %swap3A_438 = arith.constant 1392 : index
    %swap3A_439 = tpu.vector_load %arg7[%swap3A_438] {strides = array<i32>} : memref<2048xi32, #tpu.memory_space<vmem>>, vector<16xi32>,
    tpu.vector_store %arg7[%swap3A_438], %gather3A_437 {strides = array<i32>} : memref<2048xi32, #tpu.memory_space<vmem>>, vector<16xi32>,
    %get3A_440 = arith.constant 1408 : index
    %get3A_441 = tpu.vector_load %arg6[%get3A_440] {strides = array<i32>} : memref<2048xi32, #tpu.memory_space<vmem>>, vector<16xi32>,
    %gather3A_442 = tpu.vector_load_idx %arg5[%get3A_441] : memref<128xi32, #tpu.memory_space<vmem>>[vector<16xi32>], vector<16xi32>,
    %swap3A_443 = arith.constant 1408 : index
    %swap3A_444 = tpu.vector_load %arg7[%swap3A_443] {strides = array<i32>} : memref<2048xi32, #tpu.memory_space<vmem>>, vector<16xi32>,
    tpu.vector_store %arg7[%swap3A_443], %gather3A_442 {strides = array<i32>} : memref<2048xi32, #tpu.memory_space<vmem>>, vector<16xi32>,
    %get3A_445 = arith.constant 1424 : index
    %get3A_446 = tpu.vector_load %arg6[%get3A_445] {strides = array<i32>} : memref<2048xi32, #tpu.memory_space<vmem>>, vector<16xi32>,
    %gather3A_447 = tpu.vector_load_idx %arg5[%get3A_446] : memref<128xi32, #tpu.memory_space<vmem>>[vector<16xi32>], vector<16xi32>,
    %swap3A_448 = arith.constant 1424 : index
    %swap3A_449 = tpu.vector_load %arg7[%swap3A_448] {strides = array<i32>} : memref<2048xi32, #tpu.memory_space<vmem>>, vector<16xi32>,
    tpu.vector_store %arg7[%swap3A_448], %gather3A_447 {strides = array<i32>} : memref<2048xi32, #tpu.memory_space<vmem>>, vector<16xi32>,
    %get3A_450 = arith.constant 1440 : index
    %get3A_451 = tpu.vector_load %arg6[%get3A_450] {strides = array<i32>} : memref<2048xi32, #tpu.memory_space<vmem>>, vector<16xi32>,
    %gather3A_452 = tpu.vector_load_idx %arg5[%get3A_451] : memref<128xi32, #tpu.memory_space<vmem>>[vector<16xi32>], vector<16xi32>,
    %swap3A_453 = arith.constant 1440 : index
    %swap3A_454 = tpu.vector_load %arg7[%swap3A_453] {strides = array<i32>} : memref<2048xi32, #tpu.memory_space<vmem>>, vector<16xi32>,
    tpu.vector_store %arg7[%swap3A_453], %gather3A_452 {strides = array<i32>} : memref<2048xi32, #tpu.memory_space<vmem>>, vector<16xi32>,
    %get3A_455 = arith.constant 1456 : index
    %get3A_456 = tpu.vector_load %arg6[%get3A_455] {strides = array<i32>} : memref<2048xi32, #tpu.memory_space<vmem>>, vector<16xi32>,
    %gather3A_457 = tpu.vector_load_idx %arg5[%get3A_456] : memref<128xi32, #tpu.memory_space<vmem>>[vector<16xi32>], vector<16xi32>,
    %swap3A_458 = arith.constant 1456 : index
    %swap3A_459 = tpu.vector_load %arg7[%swap3A_458] {strides = array<i32>} : memref<2048xi32, #tpu.memory_space<vmem>>, vector<16xi32>,
    tpu.vector_store %arg7[%swap3A_458], %gather3A_457 {strides = array<i32>} : memref<2048xi32, #tpu.memory_space<vmem>>, vector<16xi32>,
    %get3A_460 = arith.constant 1472 : index
    %get3A_461 = tpu.vector_load %arg6[%get3A_460] {strides = array<i32>} : memref<2048xi32, #tpu.memory_space<vmem>>, vector<16xi32>,
    %gather3A_462 = tpu.vector_load_idx %arg5[%get3A_461] : memref<128xi32, #tpu.memory_space<vmem>>[vector<16xi32>], vector<16xi32>,
    %swap3A_463 = arith.constant 1472 : index
    %swap3A_464 = tpu.vector_load %arg7[%swap3A_463] {strides = array<i32>} : memref<2048xi32, #tpu.memory_space<vmem>>, vector<16xi32>,
    tpu.vector_store %arg7[%swap3A_463], %gather3A_462 {strides = array<i32>} : memref<2048xi32, #tpu.memory_space<vmem>>, vector<16xi32>,
    %get3A_465 = arith.constant 1488 : index
    %get3A_466 = tpu.vector_load %arg6[%get3A_465] {strides = array<i32>} : memref<2048xi32, #tpu.memory_space<vmem>>, vector<16xi32>,
    %gather3A_467 = tpu.vector_load_idx %arg5[%get3A_466] : memref<128xi32, #tpu.memory_space<vmem>>[vector<16xi32>], vector<16xi32>,
    %swap3A_468 = arith.constant 1488 : index
    %swap3A_469 = tpu.vector_load %arg7[%swap3A_468] {strides = array<i32>} : memref<2048xi32, #tpu.memory_space<vmem>>, vector<16xi32>,
    tpu.vector_store %arg7[%swap3A_468], %gather3A_467 {strides = array<i32>} : memref<2048xi32, #tpu.memory_space<vmem>>, vector<16xi32>,
    %get3A_470 = arith.constant 1504 : index
    %get3A_471 = tpu.vector_load %arg6[%get3A_470] {strides = array<i32>} : memref<2048xi32, #tpu.memory_space<vmem>>, vector<16xi32>,
    %gather3A_472 = tpu.vector_load_idx %arg5[%get3A_471] : memref<128xi32, #tpu.memory_space<vmem>>[vector<16xi32>], vector<16xi32>,
    %swap3A_473 = arith.constant 1504 : index
    %swap3A_474 = tpu.vector_load %arg7[%swap3A_473] {strides = array<i32>} : memref<2048xi32, #tpu.memory_space<vmem>>, vector<16xi32>,
    tpu.vector_store %arg7[%swap3A_473], %gather3A_472 {strides = array<i32>} : memref<2048xi32, #tpu.memory_space<vmem>>, vector<16xi32>,
    %get3A_475 = arith.constant 1520 : index
    %get3A_476 = tpu.vector_load %arg6[%get3A_475] {strides = array<i32>} : memref<2048xi32, #tpu.memory_space<vmem>>, vector<16xi32>,
    %gather3A_477 = tpu.vector_load_idx %arg5[%get3A_476] : memref<128xi32, #tpu.memory_space<vmem>>[vector<16xi32>], vector<16xi32>,
    %swap3A_478 = arith.constant 1520 : index
    %swap3A_479 = tpu.vector_load %arg7[%swap3A_478] {strides = array<i32>} : memref<2048xi32, #tpu.memory_space<vmem>>, vector<16xi32>,
    tpu.vector_store %arg7[%swap3A_478], %gather3A_477 {strides = array<i32>} : memref<2048xi32, #tpu.memory_space<vmem>>, vector<16xi32>,
    %get3A_480 = arith.constant 1536 : index
    %get3A_481 = tpu.vector_load %arg6[%get3A_480] {strides = array<i32>} : memref<2048xi32, #tpu.memory_space<vmem>>, vector<16xi32>,
    %gather3A_482 = tpu.vector_load_idx %arg5[%get3A_481] : memref<128xi32, #tpu.memory_space<vmem>>[vector<16xi32>], vector<16xi32>,
    %swap3A_483 = arith.constant 1536 : index
    %swap3A_484 = tpu.vector_load %arg7[%swap3A_483] {strides = array<i32>} : memref<2048xi32, #tpu.memory_space<vmem>>, vector<16xi32>,
    tpu.vector_store %arg7[%swap3A_483], %gather3A_482 {strides = array<i32>} : memref<2048xi32, #tpu.memory_space<vmem>>, vector<16xi32>,
    %get3A_485 = arith.constant 1552 : index
    %get3A_486 = tpu.vector_load %arg6[%get3A_485] {strides = array<i32>} : memref<2048xi32, #tpu.memory_space<vmem>>, vector<16xi32>,
    %gather3A_487 = tpu.vector_load_idx %arg5[%get3A_486] : memref<128xi32, #tpu.memory_space<vmem>>[vector<16xi32>], vector<16xi32>,
    %swap3A_488 = arith.constant 1552 : index
    %swap3A_489 = tpu.vector_load %arg7[%swap3A_488] {strides = array<i32>} : memref<2048xi32, #tpu.memory_space<vmem>>, vector<16xi32>,
    tpu.vector_store %arg7[%swap3A_488], %gather3A_487 {strides = array<i32>} : memref<2048xi32, #tpu.memory_space<vmem>>, vector<16xi32>,
    %get3A_490 = arith.constant 1568 : index
    %get3A_491 = tpu.vector_load %arg6[%get3A_490] {strides = array<i32>} : memref<2048xi32, #tpu.memory_space<vmem>>, vector<16xi32>,
    %gather3A_492 = tpu.vector_load_idx %arg5[%get3A_491] : memref<128xi32, #tpu.memory_space<vmem>>[vector<16xi32>], vector<16xi32>,
    %swap3A_493 = arith.constant 1568 : index
    %swap3A_494 = tpu.vector_load %arg7[%swap3A_493] {strides = array<i32>} : memref<2048xi32, #tpu.memory_space<vmem>>, vector<16xi32>,
    tpu.vector_store %arg7[%swap3A_493], %gather3A_492 {strides = array<i32>} : memref<2048xi32, #tpu.memory_space<vmem>>, vector<16xi32>,
    %get3A_495 = arith.constant 1584 : index
    %get3A_496 = tpu.vector_load %arg6[%get3A_495] {strides = array<i32>} : memref<2048xi32, #tpu.memory_space<vmem>>, vector<16xi32>,
    %gather3A_497 = tpu.vector_load_idx %arg5[%get3A_496] : memref<128xi32, #tpu.memory_space<vmem>>[vector<16xi32>], vector<16xi32>,
    %swap3A_498 = arith.constant 1584 : index
    %swap3A_499 = tpu.vector_load %arg7[%swap3A_498] {strides = array<i32>} : memref<2048xi32, #tpu.memory_space<vmem>>, vector<16xi32>,
    tpu.vector_store %arg7[%swap3A_498], %gather3A_497 {strides = array<i32>} : memref<2048xi32, #tpu.memory_space<vmem>>, vector<16xi32>,
    %get3A_500 = arith.constant 1600 : index
    %get3A_501 = tpu.vector_load %arg6[%get3A_500] {strides = array<i32>} : memref<2048xi32, #tpu.memory_space<vmem>>, vector<16xi32>,
    %gather3A_502 = tpu.vector_load_idx %arg5[%get3A_501] : memref<128xi32, #tpu.memory_space<vmem>>[vector<16xi32>], vector<16xi32>,
    %swap3A_503 = arith.constant 1600 : index
    %swap3A_504 = tpu.vector_load %arg7[%swap3A_503] {strides = array<i32>} : memref<2048xi32, #tpu.memory_space<vmem>>, vector<16xi32>,
    tpu.vector_store %arg7[%swap3A_503], %gather3A_502 {strides = array<i32>} : memref<2048xi32, #tpu.memory_space<vmem>>, vector<16xi32>,
    %get3A_505 = arith.constant 1616 : index
    %get3A_506 = tpu.vector_load %arg6[%get3A_505] {strides = array<i32>} : memref<2048xi32, #tpu.memory_space<vmem>>, vector<16xi32>,
    %gather3A_507 = tpu.vector_load_idx %arg5[%get3A_506] : memref<128xi32, #tpu.memory_space<vmem>>[vector<16xi32>], vector<16xi32>,
    %swap3A_508 = arith.constant 1616 : index
    %swap3A_509 = tpu.vector_load %arg7[%swap3A_508] {strides = array<i32>} : memref<2048xi32, #tpu.memory_space<vmem>>, vector<16xi32>,
    tpu.vector_store %arg7[%swap3A_508], %gather3A_507 {strides = array<i32>} : memref<2048xi32, #tpu.memory_space<vmem>>, vector<16xi32>,
    %get3A_510 = arith.constant 1632 : index
    %get3A_511 = tpu.vector_load %arg6[%get3A_510] {strides = array<i32>} : memref<2048xi32, #tpu.memory_space<vmem>>, vector<16xi32>,
    %gather3A_512 = tpu.vector_load_idx %arg5[%get3A_511] : memref<128xi32, #tpu.memory_space<vmem>>[vector<16xi32>], vector<16xi32>,
    %swap3A_513 = arith.constant 1632 : index
    %swap3A_514 = tpu.vector_load %arg7[%swap3A_513] {strides = array<i32>} : memref<2048xi32, #tpu.memory_space<vmem>>, vector<16xi32>,
    tpu.vector_store %arg7[%swap3A_513], %gather3A_512 {strides = array<i32>} : memref<2048xi32, #tpu.memory_space<vmem>>, vector<16xi32>,
    %get3A_515 = arith.constant 1648 : index
    %get3A_516 = tpu.vector_load %arg6[%get3A_515] {strides = array<i32>} : memref<2048xi32, #tpu.memory_space<vmem>>, vector<16xi32>,
    %gather3A_517 = tpu.vector_load_idx %arg5[%get3A_516] : memref<128xi32, #tpu.memory_space<vmem>>[vector<16xi32>], vector<16xi32>,
    %swap3A_518 = arith.constant 1648 : index
    %swap3A_519 = tpu.vector_load %arg7[%swap3A_518] {strides = array<i32>} : memref<2048xi32, #tpu.memory_space<vmem>>, vector<16xi32>,
    tpu.vector_store %arg7[%swap3A_518], %gather3A_517 {strides = array<i32>} : memref<2048xi32, #tpu.memory_space<vmem>>, vector<16xi32>,
    %get3A_520 = arith.constant 1664 : index
    %get3A_521 = tpu.vector_load %arg6[%get3A_520] {strides = array<i32>} : memref<2048xi32, #tpu.memory_space<vmem>>, vector<16xi32>,
    %gather3A_522 = tpu.vector_load_idx %arg5[%get3A_521] : memref<128xi32, #tpu.memory_space<vmem>>[vector<16xi32>], vector<16xi32>,
    %swap3A_523 = arith.constant 1664 : index
    %swap3A_524 = tpu.vector_load %arg7[%swap3A_523] {strides = array<i32>} : memref<2048xi32, #tpu.memory_space<vmem>>, vector<16xi32>,
    tpu.vector_store %arg7[%swap3A_523], %gather3A_522 {strides = array<i32>} : memref<2048xi32, #tpu.memory_space<vmem>>, vector<16xi32>,
    %get3A_525 = arith.constant 1680 : index
    %get3A_526 = tpu.vector_load %arg6[%get3A_525] {strides = array<i32>} : memref<2048xi32, #tpu.memory_space<vmem>>, vector<16xi32>,
    %gather3A_527 = tpu.vector_load_idx %arg5[%get3A_526] : memref<128xi32, #tpu.memory_space<vmem>>[vector<16xi32>], vector<16xi32>,
    %swap3A_528 = arith.constant 1680 : index
    %swap3A_529 = tpu.vector_load %arg7[%swap3A_528] {strides = array<i32>} : memref<2048xi32, #tpu.memory_space<vmem>>, vector<16xi32>,
    tpu.vector_store %arg7[%swap3A_528], %gather3A_527 {strides = array<i32>} : memref<2048xi32, #tpu.memory_space<vmem>>, vector<16xi32>,
    %get3A_530 = arith.constant 1696 : index
    %get3A_531 = tpu.vector_load %arg6[%get3A_530] {strides = array<i32>} : memref<2048xi32, #tpu.memory_space<vmem>>, vector<16xi32>,
    %gather3A_532 = tpu.vector_load_idx %arg5[%get3A_531] : memref<128xi32, #tpu.memory_space<vmem>>[vector<16xi32>], vector<16xi32>,
    %swap3A_533 = arith.constant 1696 : index
    %swap3A_534 = tpu.vector_load %arg7[%swap3A_533] {strides = array<i32>} : memref<2048xi32, #tpu.memory_space<vmem>>, vector<16xi32>,
    tpu.vector_store %arg7[%swap3A_533], %gather3A_532 {strides = array<i32>} : memref<2048xi32, #tpu.memory_space<vmem>>, vector<16xi32>,
    %get3A_535 = arith.constant 1712 : index
    %get3A_536 = tpu.vector_load %arg6[%get3A_535] {strides = array<i32>} : memref<2048xi32, #tpu.memory_space<vmem>>, vector<16xi32>,
    %gather3A_537 = tpu.vector_load_idx %arg5[%get3A_536] : memref<128xi32, #tpu.memory_space<vmem>>[vector<16xi32>], vector<16xi32>,
    %swap3A_538 = arith.constant 1712 : index
    %swap3A_539 = tpu.vector_load %arg7[%swap3A_538] {strides = array<i32>} : memref<2048xi32, #tpu.memory_space<vmem>>, vector<16xi32>,
    tpu.vector_store %arg7[%swap3A_538], %gather3A_537 {strides = array<i32>} : memref<2048xi32, #tpu.memory_space<vmem>>, vector<16xi32>,
    %get3A_540 = arith.constant 1728 : index
    %get3A_541 = tpu.vector_load %arg6[%get3A_540] {strides = array<i32>} : memref<2048xi32, #tpu.memory_space<vmem>>, vector<16xi32>,
    %gather3A_542 = tpu.vector_load_idx %arg5[%get3A_541] : memref<128xi32, #tpu.memory_space<vmem>>[vector<16xi32>], vector<16xi32>,
    %swap3A_543 = arith.constant 1728 : index
    %swap3A_544 = tpu.vector_load %arg7[%swap3A_543] {strides = array<i32>} : memref<2048xi32, #tpu.memory_space<vmem>>, vector<16xi32>,
    tpu.vector_store %arg7[%swap3A_543], %gather3A_542 {strides = array<i32>} : memref<2048xi32, #tpu.memory_space<vmem>>, vector<16xi32>,
    %get3A_545 = arith.constant 1744 : index
    %get3A_546 = tpu.vector_load %arg6[%get3A_545] {strides = array<i32>} : memref<2048xi32, #tpu.memory_space<vmem>>, vector<16xi32>,
    %gather3A_547 = tpu.vector_load_idx %arg5[%get3A_546] : memref<128xi32, #tpu.memory_space<vmem>>[vector<16xi32>], vector<16xi32>,
    %swap3A_548 = arith.constant 1744 : index
    %swap3A_549 = tpu.vector_load %arg7[%swap3A_548] {strides = array<i32>} : memref<2048xi32, #tpu.memory_space<vmem>>, vector<16xi32>,
    tpu.vector_store %arg7[%swap3A_548], %gather3A_547 {strides = array<i32>} : memref<2048xi32, #tpu.memory_space<vmem>>, vector<16xi32>,
    %get3A_550 = arith.constant 1760 : index
    %get3A_551 = tpu.vector_load %arg6[%get3A_550] {strides = array<i32>} : memref<2048xi32, #tpu.memory_space<vmem>>, vector<16xi32>,
    %gather3A_552 = tpu.vector_load_idx %arg5[%get3A_551] : memref<128xi32, #tpu.memory_space<vmem>>[vector<16xi32>], vector<16xi32>,
    %swap3A_553 = arith.constant 1760 : index
    %swap3A_554 = tpu.vector_load %arg7[%swap3A_553] {strides = array<i32>} : memref<2048xi32, #tpu.memory_space<vmem>>, vector<16xi32>,
    tpu.vector_store %arg7[%swap3A_553], %gather3A_552 {strides = array<i32>} : memref<2048xi32, #tpu.memory_space<vmem>>, vector<16xi32>,
    %get3A_555 = arith.constant 1776 : index
    %get3A_556 = tpu.vector_load %arg6[%get3A_555] {strides = array<i32>} : memref<2048xi32, #tpu.memory_space<vmem>>, vector<16xi32>,
    %gather3A_557 = tpu.vector_load_idx %arg5[%get3A_556] : memref<128xi32, #tpu.memory_space<vmem>>[vector<16xi32>], vector<16xi32>,
    %swap3A_558 = arith.constant 1776 : index
    %swap3A_559 = tpu.vector_load %arg7[%swap3A_558] {strides = array<i32>} : memref<2048xi32, #tpu.memory_space<vmem>>, vector<16xi32>,
    tpu.vector_store %arg7[%swap3A_558], %gather3A_557 {strides = array<i32>} : memref<2048xi32, #tpu.memory_space<vmem>>, vector<16xi32>,
    %get3A_560 = arith.constant 1792 : index
    %get3A_561 = tpu.vector_load %arg6[%get3A_560] {strides = array<i32>} : memref<2048xi32, #tpu.memory_space<vmem>>, vector<16xi32>,
    %gather3A_562 = tpu.vector_load_idx %arg5[%get3A_561] : memref<128xi32, #tpu.memory_space<vmem>>[vector<16xi32>], vector<16xi32>,
    %swap3A_563 = arith.constant 1792 : index
    %swap3A_564 = tpu.vector_load %arg7[%swap3A_563] {strides = array<i32>} : memref<2048xi32, #tpu.memory_space<vmem>>, vector<16xi32>,
    tpu.vector_store %arg7[%swap3A_563], %gather3A_562 {strides = array<i32>} : memref<2048xi32, #tpu.memory_space<vmem>>, vector<16xi32>,
    %get3A_565 = arith.constant 1808 : index
    %get3A_566 = tpu.vector_load %arg6[%get3A_565] {strides = array<i32>} : memref<2048xi32, #tpu.memory_space<vmem>>, vector<16xi32>,
    %gather3A_567 = tpu.vector_load_idx %arg5[%get3A_566] : memref<128xi32, #tpu.memory_space<vmem>>[vector<16xi32>], vector<16xi32>,
    %swap3A_568 = arith.constant 1808 : index
    %swap3A_569 = tpu.vector_load %arg7[%swap3A_568] {strides = array<i32>} : memref<2048xi32, #tpu.memory_space<vmem>>, vector<16xi32>,
    tpu.vector_store %arg7[%swap3A_568], %gather3A_567 {strides = array<i32>} : memref<2048xi32, #tpu.memory_space<vmem>>, vector<16xi32>,
    %get3A_570 = arith.constant 1824 : index
    %get3A_571 = tpu.vector_load %arg6[%get3A_570] {strides = array<i32>} : memref<2048xi32, #tpu.memory_space<vmem>>, vector<16xi32>,
    %gather3A_572 = tpu.vector_load_idx %arg5[%get3A_571] : memref<128xi32, #tpu.memory_space<vmem>>[vector<16xi32>], vector<16xi32>,
    %swap3A_573 = arith.constant 1824 : index
    %swap3A_574 = tpu.vector_load %arg7[%swap3A_573] {strides = array<i32>} : memref<2048xi32, #tpu.memory_space<vmem>>, vector<16xi32>,
    tpu.vector_store %arg7[%swap3A_573], %gather3A_572 {strides = array<i32>} : memref<2048xi32, #tpu.memory_space<vmem>>, vector<16xi32>,
    %get3A_575 = arith.constant 1840 : index
    %get3A_576 = tpu.vector_load %arg6[%get3A_575] {strides = array<i32>} : memref<2048xi32, #tpu.memory_space<vmem>>, vector<16xi32>,
    %gather3A_577 = tpu.vector_load_idx %arg5[%get3A_576] : memref<128xi32, #tpu.memory_space<vmem>>[vector<16xi32>], vector<16xi32>,
    %swap3A_578 = arith.constant 1840 : index
    %swap3A_579 = tpu.vector_load %arg7[%swap3A_578] {strides = array<i32>} : memref<2048xi32, #tpu.memory_space<vmem>>, vector<16xi32>,
    tpu.vector_store %arg7[%swap3A_578], %gather3A_577 {strides = array<i32>} : memref<2048xi32, #tpu.memory_space<vmem>>, vector<16xi32>,
    %get3A_580 = arith.constant 1856 : index
    %get3A_581 = tpu.vector_load %arg6[%get3A_580] {strides = array<i32>} : memref<2048xi32, #tpu.memory_space<vmem>>, vector<16xi32>,
    %gather3A_582 = tpu.vector_load_idx %arg5[%get3A_581] : memref<128xi32, #tpu.memory_space<vmem>>[vector<16xi32>], vector<16xi32>,
    %swap3A_583 = arith.constant 1856 : index
    %swap3A_584 = tpu.vector_load %arg7[%swap3A_583] {strides = array<i32>} : memref<2048xi32, #tpu.memory_space<vmem>>, vector<16xi32>,
    tpu.vector_store %arg7[%swap3A_583], %gather3A_582 {strides = array<i32>} : memref<2048xi32, #tpu.memory_space<vmem>>, vector<16xi32>,
    %get3A_585 = arith.constant 1872 : index
    %get3A_586 = tpu.vector_load %arg6[%get3A_585] {strides = array<i32>} : memref<2048xi32, #tpu.memory_space<vmem>>, vector<16xi32>,
    %gather3A_587 = tpu.vector_load_idx %arg5[%get3A_586] : memref<128xi32, #tpu.memory_space<vmem>>[vector<16xi32>], vector<16xi32>,
    %swap3A_588 = arith.constant 1872 : index
    %swap3A_589 = tpu.vector_load %arg7[%swap3A_588] {strides = array<i32>} : memref<2048xi32, #tpu.memory_space<vmem>>, vector<16xi32>,
    tpu.vector_store %arg7[%swap3A_588], %gather3A_587 {strides = array<i32>} : memref<2048xi32, #tpu.memory_space<vmem>>, vector<16xi32>,
    %get3A_590 = arith.constant 1888 : index
    %get3A_591 = tpu.vector_load %arg6[%get3A_590] {strides = array<i32>} : memref<2048xi32, #tpu.memory_space<vmem>>, vector<16xi32>,
    %gather3A_592 = tpu.vector_load_idx %arg5[%get3A_591] : memref<128xi32, #tpu.memory_space<vmem>>[vector<16xi32>], vector<16xi32>,
    %swap3A_593 = arith.constant 1888 : index
    %swap3A_594 = tpu.vector_load %arg7[%swap3A_593] {strides = array<i32>} : memref<2048xi32, #tpu.memory_space<vmem>>, vector<16xi32>,
    tpu.vector_store %arg7[%swap3A_593], %gather3A_592 {strides = array<i32>} : memref<2048xi32, #tpu.memory_space<vmem>>, vector<16xi32>,
    %get3A_595 = arith.constant 1904 : index
    %get3A_596 = tpu.vector_load %arg6[%get3A_595] {strides = array<i32>} : memref<2048xi32, #tpu.memory_space<vmem>>, vector<16xi32>,
    %gather3A_597 = tpu.vector_load_idx %arg5[%get3A_596] : memref<128xi32, #tpu.memory_space<vmem>>[vector<16xi32>], vector<16xi32>,
    %swap3A_598 = arith.constant 1904 : index
    %swap3A_599 = tpu.vector_load %arg7[%swap3A_598] {strides = array<i32>} : memref<2048xi32, #tpu.memory_space<vmem>>, vector<16xi32>,
    tpu.vector_store %arg7[%swap3A_598], %gather3A_597 {strides = array<i32>} : memref<2048xi32, #tpu.memory_space<vmem>>, vector<16xi32>,
    %get3A_600 = arith.constant 1920 : index
    %get3A_601 = tpu.vector_load %arg6[%get3A_600] {strides = array<i32>} : memref<2048xi32, #tpu.memory_space<vmem>>, vector<16xi32>,
    %gather3A_602 = tpu.vector_load_idx %arg5[%get3A_601] : memref<128xi32, #tpu.memory_space<vmem>>[vector<16xi32>], vector<16xi32>,
    %swap3A_603 = arith.constant 1920 : index
    %swap3A_604 = tpu.vector_load %arg7[%swap3A_603] {strides = array<i32>} : memref<2048xi32, #tpu.memory_space<vmem>>, vector<16xi32>,
    tpu.vector_store %arg7[%swap3A_603], %gather3A_602 {strides = array<i32>} : memref<2048xi32, #tpu.memory_space<vmem>>, vector<16xi32>,
    %get3A_605 = arith.constant 1936 : index
    %get3A_606 = tpu.vector_load %arg6[%get3A_605] {strides = array<i32>} : memref<2048xi32, #tpu.memory_space<vmem>>, vector<16xi32>,
    %gather3A_607 = tpu.vector_load_idx %arg5[%get3A_606] : memref<128xi32, #tpu.memory_space<vmem>>[vector<16xi32>], vector<16xi32>,
    %swap3A_608 = arith.constant 1936 : index
    %swap3A_609 = tpu.vector_load %arg7[%swap3A_608] {strides = array<i32>} : memref<2048xi32, #tpu.memory_space<vmem>>, vector<16xi32>,
    tpu.vector_store %arg7[%swap3A_608], %gather3A_607 {strides = array<i32>} : memref<2048xi32, #tpu.memory_space<vmem>>, vector<16xi32>,
    %get3A_610 = arith.constant 1952 : index
    %get3A_611 = tpu.vector_load %arg6[%get3A_610] {strides = array<i32>} : memref<2048xi32, #tpu.memory_space<vmem>>, vector<16xi32>,
    %gather3A_612 = tpu.vector_load_idx %arg5[%get3A_611] : memref<128xi32, #tpu.memory_space<vmem>>[vector<16xi32>], vector<16xi32>,
    %swap3A_613 = arith.constant 1952 : index
    %swap3A_614 = tpu.vector_load %arg7[%swap3A_613] {strides = array<i32>} : memref<2048xi32, #tpu.memory_space<vmem>>, vector<16xi32>,
    tpu.vector_store %arg7[%swap3A_613], %gather3A_612 {strides = array<i32>} : memref<2048xi32, #tpu.memory_space<vmem>>, vector<16xi32>,
    %get3A_615 = arith.constant 1968 : index
    %get3A_616 = tpu.vector_load %arg6[%get3A_615] {strides = array<i32>} : memref<2048xi32, #tpu.memory_space<vmem>>, vector<16xi32>,
    %gather3A_617 = tpu.vector_load_idx %arg5[%get3A_616] : memref<128xi32, #tpu.memory_space<vmem>>[vector<16xi32>], vector<16xi32>,
    %swap3A_618 = arith.constant 1968 : index
    %swap3A_619 = tpu.vector_load %arg7[%swap3A_618] {strides = array<i32>} : memref<2048xi32, #tpu.memory_space<vmem>>, vector<16xi32>,
    tpu.vector_store %arg7[%swap3A_618], %gather3A_617 {strides = array<i32>} : memref<2048xi32, #tpu.memory_space<vmem>>, vector<16xi32>,
    %get3A_620 = arith.constant 1984 : index
    %get3A_621 = tpu.vector_load %arg6[%get3A_620] {strides = array<i32>} : memref<2048xi32, #tpu.memory_space<vmem>>, vector<16xi32>,
    %gather3A_622 = tpu.vector_load_idx %arg5[%get3A_621] : memref<128xi32, #tpu.memory_space<vmem>>[vector<16xi32>], vector<16xi32>,
    %swap3A_623 = arith.constant 1984 : index
    %swap3A_624 = tpu.vector_load %arg7[%swap3A_623] {strides = array<i32>} : memref<2048xi32, #tpu.memory_space<vmem>>, vector<16xi32>,
    tpu.vector_store %arg7[%swap3A_623], %gather3A_622 {strides = array<i32>} : memref<2048xi32, #tpu.memory_space<vmem>>, vector<16xi32>,
    %get3A_625 = arith.constant 2000 : index
    %get3A_626 = tpu.vector_load %arg6[%get3A_625] {strides = array<i32>} : memref<2048xi32, #tpu.memory_space<vmem>>, vector<16xi32>,
    %gather3A_627 = tpu.vector_load_idx %arg5[%get3A_626] : memref<128xi32, #tpu.memory_space<vmem>>[vector<16xi32>], vector<16xi32>,
    %swap3A_628 = arith.constant 2000 : index
    %swap3A_629 = tpu.vector_load %arg7[%swap3A_628] {strides = array<i32>} : memref<2048xi32, #tpu.memory_space<vmem>>, vector<16xi32>,
    tpu.vector_store %arg7[%swap3A_628], %gather3A_627 {strides = array<i32>} : memref<2048xi32, #tpu.memory_space<vmem>>, vector<16xi32>,
    %get3A_630 = arith.constant 2016 : index
    %get3A_631 = tpu.vector_load %arg6[%get3A_630] {strides = array<i32>} : memref<2048xi32, #tpu.memory_space<vmem>>, vector<16xi32>,
    %gather3A_632 = tpu.vector_load_idx %arg5[%get3A_631] : memref<128xi32, #tpu.memory_space<vmem>>[vector<16xi32>], vector<16xi32>,
    %swap3A_633 = arith.constant 2016 : index
    %swap3A_634 = tpu.vector_load %arg7[%swap3A_633] {strides = array<i32>} : memref<2048xi32, #tpu.memory_space<vmem>>, vector<16xi32>,
    tpu.vector_store %arg7[%swap3A_633], %gather3A_632 {strides = array<i32>} : memref<2048xi32, #tpu.memory_space<vmem>>, vector<16xi32>,
    %get3A_635 = arith.constant 2032 : index
    %get3A_636 = tpu.vector_load %arg6[%get3A_635] {strides = array<i32>} : memref<2048xi32, #tpu.memory_space<vmem>>, vector<16xi32>,
    %gather3A_637 = tpu.vector_load_idx %arg5[%get3A_636] : memref<128xi32, #tpu.memory_space<vmem>>[vector<16xi32>], vector<16xi32>,
    %swap3A_638 = arith.constant 2032 : index
    %swap3A_639 = tpu.vector_load %arg7[%swap3A_638] {strides = array<i32>} : memref<2048xi32, #tpu.memory_space<vmem>>, vector<16xi32>,
    tpu.vector_store %arg7[%swap3A_638], %gather3A_637 {strides = array<i32>} : memref<2048xi32, #tpu.memory_space<vmem>>, vector<16xi32>,
    "tpu.region"() ({
      %run_scoped3A = tpu.sem_alloc : memref<!tpu.dma_semaphore, #tpu.memory_space<semaphore_mem>>
      %dma_start3A = tpu.memref_slice %arg4[%mul3A_2] : memref<32768xi32, #tpu.memory_space<hbm>> -> memref<2048xi32, #tpu.memory_space<hbm>>
      %dma_start3A_640 = tpu.memref_slice %arg4[%mul3A_2] : memref<32768xi32, #tpu.memory_space<hbm>> -> memref<2048xi32, #tpu.memory_space<hbm>>
      tpu.enqueue_dma source(%arg7 : memref<2048xi32, #tpu.memory_space<vmem>>) target(%dma_start3A_640 : memref<2048xi32, #tpu.memory_space<hbm>>) target_semaphore(%run_scoped3A : memref<!tpu.dma_semaphore, #tpu.memory_space<semaphore_mem>>)
      %dma_wait3A = tpu.memref_slice %arg4[%mul3A_2] : memref<32768xi32, #tpu.memory_space<hbm>> -> memref<2048xi32, #tpu.memory_space<hbm>>
      %dma_wait3A_641 = tpu.memref_slice %arg4[%mul3A_2] : memref<32768xi32, #tpu.memory_space<hbm>> -> memref<2048xi32, #tpu.memory_space<hbm>>
      tpu.wait_dma2 semaphore(%run_scoped3A : memref<!tpu.dma_semaphore, #tpu.memory_space<semaphore_mem>>) src(%arg7 : memref<2048xi32, #tpu.memory_space<vmem>>) dst(%dma_wait3A_641 : memref<2048xi32, #tpu.memory_space<hbm>>)
      tpu.yield
    }) : () -> ()
    return
  }
}

module attributes {stable_mosaic.version = 14 : i64} {
  func.func @_body(%arg0: i32, %arg1: memref<4096x128xf32, #tpu.memory_space<vmem>>, %arg2: memref<4096x128xf32, #tpu.memory_space<vmem>>, %arg3: memref<4096x1xi32, #tpu.memory_space<vmem>>, %arg4: memref<4096x1xi32, #tpu.memory_space<vmem>>, %arg5: memref<64x8xf32, #tpu.memory_space<vmem>>, %arg6: memref<4096x128xf32, #tpu.memory_space<vmem>>, %arg7: memref<4096x1xi32, #tpu.memory_space<vmem>>) attributes {dimension_semantics = [#tpu.dimension_semantics<parallel>], iteration_bounds = array<i64: 8>, scalar_prefetch = 0 : i64, scratch_operands = 0 : i64, tpu.core_type = #tpu.core_type<tc>, window_params = [{transform_indices = @transform_0, window_bounds = array<i64: 4096, 128>}, {transform_indices = @transform_1, window_bounds = array<i64: 4096, 128>}, {transform_indices = @transform_2, window_bounds = array<i64: 4096, 1>}, {transform_indices = @transform_3, window_bounds = array<i64: 4096, 1>}, {pipeline_mode = #tpu.pipeline_mode<synchronous>, transform_indices = @transform_4, window_bounds = array<i64: 64, 8>}, {transform_indices = @transform_5, window_bounds = array<i64: 4096, 128>}, {transform_indices = @transform_6, window_bounds = array<i64: 4096, 1>}]} {
    %iota3A = tpu.iota {dimensions = array<i32: 1>} : vector<1x128xi32>
    %get3A = arith.constant 0 : index
    %get3A_0 = arith.constant 0 : index
    %get3A_1 = vector.load %arg5[%get3A, %get3A_0] : memref<64x8xf32, #tpu.memory_space<vmem>>, vector<64x8xf32>
    %slice3A = vector.extract_strided_slice %get3A_1 {offsets = [0, 0], sizes = [64, 1], strides = [1, 1]} : vector<64x8xf32> to vector<64x1xf32>
    %slice3A_2 = vector.extract_strided_slice %get3A_1 {offsets = [0, 1], sizes = [64, 1], strides = [1, 1]} : vector<64x8xf32> to vector<64x1xf32>
    %slice3A_3 = vector.extract_strided_slice %get3A_1 {offsets = [0, 2], sizes = [64, 1], strides = [1, 1]} : vector<64x8xf32> to vector<64x1xf32>
    %max3A = arith.maximumf %slice3A, %slice3A_3 : vector<64x1xf32>
    %sub3A = arith.subf %slice3A, %max3A : vector<64x1xf32>
    %exp3A = math.exp %sub3A : vector<64x1xf32>
    %sub3A_4 = arith.subf %slice3A_3, %max3A : vector<64x1xf32>
    %exp3A_5 = math.exp %sub3A_4 : vector<64x1xf32>
    %add3A = arith.addf %exp3A, %exp3A_5 : vector<64x1xf32>
    %log3A = math.log %add3A : vector<64x1xf32>
    %add3A_6 = arith.addf %max3A, %log3A : vector<64x1xf32>
    %max3A_7 = arith.maximumf %slice3A_2, %slice3A_3 : vector<64x1xf32>
    %sub3A_8 = arith.subf %slice3A_2, %max3A_7 : vector<64x1xf32>
    %exp3A_9 = math.exp %sub3A_8 : vector<64x1xf32>
    %sub3A_10 = arith.subf %slice3A_3, %max3A_7 : vector<64x1xf32>
    %exp3A_11 = math.exp %sub3A_10 : vector<64x1xf32>
    %add3A_12 = arith.addf %exp3A_9, %exp3A_11 : vector<64x1xf32>
    %log3A_13 = math.log %add3A_12 : vector<64x1xf32>
    %add3A_14 = arith.addf %max3A_7, %log3A_13 : vector<64x1xf32>
    %slice3A_15 = vector.extract_strided_slice %get3A_1 {offsets = [0, 3], sizes = [64, 3], strides = [1, 1]} : vector<64x8xf32> to vector<64x3xf32>
    %concatenate3A = tpu.concatenate %add3A_6, %add3A_14, %slice3A_15 in 1 : vector<64x1xf32>, vector<64x1xf32>, vector<64x3xf32> -> vector<64x5xf32>
    %iota3A_16 = tpu.iota {dimensions = array<i32: 1>} : vector<1x64xi32>
    %get3A_17 = arith.constant 0 : index
    %get3A_18 = arith.constant 0 : index
    %get3A_19 = vector.load %arg1[%get3A_17, %get3A_18] : memref<4096x128xf32, #tpu.memory_space<vmem>>, vector<4096x128xf32>
    %get3A_20 = arith.constant 0 : index
    %get3A_21 = arith.constant 0 : index
    %get3A_22 = vector.load %arg4[%get3A_20, %get3A_21] : memref<4096x1xi32, #tpu.memory_space<vmem>>, vector<4096x1xi32>
    %eq3A = vector.broadcast %get3A_22 : vector<4096x1xi32> to vector<4096x64xi32>
    %eq3A_23 = vector.broadcast %iota3A_16 : vector<1x64xi32> to vector<4096x64xi32>
    %eq3A_24 = arith.cmpi eq, %eq3A, %eq3A_23 : vector<4096x64xi32>
    %convert_element_type3A = arith.extui %eq3A_24 : vector<4096x64xi1> to vector<4096x64xi32>
    %convert_element_type3A_25 = arith.sitofp %convert_element_type3A : vector<4096x64xi32> to vector<4096x64xf32>
    %dot_general3A = arith.constant dense<0.000000e+00> : vector<4096x5xf32>
    %dot_general3A_26 = tpu.matmul %convert_element_type3A_25, %concatenate3A, %dot_general3A {dimension_numbers = #tpu.dot_dimension_numbers<[1], [0], [0], [1], [0, 0, 1, 1], [], []>, precision = #tpu.contract_precision<fp32>, transpose_lhs_hint = false} : vector<4096x64xf32>, vector<64x5xf32>, vector<4096x5xf32> -> vector<4096x5xf32>
    %slice3A_27 = vector.extract_strided_slice %dot_general3A_26 {offsets = [0, 0], sizes = [4096, 1], strides = [1, 1]} : vector<4096x5xf32> to vector<4096x1xf32>
    %slice3A_28 = vector.extract_strided_slice %dot_general3A_26 {offsets = [0, 1], sizes = [4096, 1], strides = [1, 1]} : vector<4096x5xf32> to vector<4096x1xf32>
    %slice3A_29 = vector.extract_strided_slice %dot_general3A_26 {offsets = [0, 2], sizes = [4096, 1], strides = [1, 1]} : vector<4096x5xf32> to vector<4096x1xf32>
    %slice3A_30 = vector.extract_strided_slice %dot_general3A_26 {offsets = [0, 3], sizes = [4096, 1], strides = [1, 1]} : vector<4096x5xf32> to vector<4096x1xf32>
    %slice3A_31 = vector.extract_strided_slice %dot_general3A_26 {offsets = [0, 4], sizes = [4096, 1], strides = [1, 1]} : vector<4096x5xf32> to vector<4096x1xf32>
    %gt3A = arith.constant 5.000000e-01 : f32
    %gt3A_32 = vector.broadcast %gt3A : f32 to vector<4096x1xf32>
    %gt3A_33 = arith.cmpf ogt, %slice3A_31, %gt3A_32 : vector<4096x1xf32>
    %get3A_34 = arith.constant 0 : index
    %get3A_35 = arith.constant 0 : index
    %get3A_36 = vector.load %arg3[%get3A_34, %get3A_35] : memref<4096x1xi32, #tpu.memory_space<vmem>>, vector<4096x1xi32>
    %eq3A_37 = vector.broadcast %get3A_36 : vector<4096x1xi32> to vector<4096x128xi32>
    %eq3A_38 = vector.broadcast %iota3A : vector<1x128xi32> to vector<4096x128xi32>
    %eq3A_39 = arith.cmpi eq, %eq3A_37, %eq3A_38 : vector<4096x128xi32>
    %broadcast_in_dim3A = vector.shape_cast %slice3A_27 : vector<4096x1xf32> to vector<4096x1xf32>
    %broadcast_in_dim3A_40 = vector.broadcast %broadcast_in_dim3A : vector<4096x1xf32> to vector<4096x128xf32>
    %broadcast_in_dim3A_41 = vector.shape_cast %slice3A_28 : vector<4096x1xf32> to vector<4096x1xf32>
    %broadcast_in_dim3A_42 = vector.broadcast %broadcast_in_dim3A_41 : vector<4096x1xf32> to vector<4096x128xf32>
    %select_n3A = arith.select %eq3A_39, %broadcast_in_dim3A_40, %broadcast_in_dim3A_42 : vector<4096x128xi1>, vector<4096x128xf32>
    %add3A_43 = vector.broadcast %slice3A_29 : vector<4096x1xf32> to vector<4096x128xf32>
    %add3A_44 = arith.addf %add3A_43, %get3A_19 : vector<4096x128xf32>
    %max3A_45 = vector.broadcast %slice3A_30 : vector<4096x1xf32> to vector<4096x128xf32>
    %max3A_46 = arith.maximumf %add3A_44, %max3A_45 : vector<4096x128xf32>
    %sub3A_47 = arith.subf %add3A_44, %max3A_46 : vector<4096x128xf32>
    %exp3A_48 = math.exp %sub3A_47 : vector<4096x128xf32>
    %sub3A_49 = vector.broadcast %slice3A_30 : vector<4096x1xf32> to vector<4096x128xf32>
    %sub3A_50 = arith.subf %sub3A_49, %max3A_46 : vector<4096x128xf32>
    %exp3A_51 = math.exp %sub3A_50 : vector<4096x128xf32>
    %add3A_52 = arith.addf %exp3A_48, %exp3A_51 : vector<4096x128xf32>
    %log3A_53 = math.log %add3A_52 : vector<4096x128xf32>
    %add3A_54 = arith.addf %max3A_46, %log3A_53 : vector<4096x128xf32>
    %add3A_55 = arith.addf %select_n3A, %add3A_54 : vector<4096x128xf32>
    %reduce_max3A = arith.constant dense<0xFF800000> : vector<4096xf32>
    %reduce_max3A_56 = vector.multi_reduction <maximumf>, %add3A_55, %reduce_max3A [1] : vector<4096x128xf32> to vector<4096xf32>
    %broadcast_in_dim3A_57 = vector.shape_cast %reduce_max3A_56 : vector<4096xf32> to vector<4096x1xf32>
    %sub3A_58 = vector.broadcast %broadcast_in_dim3A_57 : vector<4096x1xf32> to vector<4096x128xf32>
    %sub3A_59 = arith.subf %add3A_55, %sub3A_58 : vector<4096x128xf32>
    %exp3A_60 = math.exp %sub3A_59 : vector<4096x128xf32>
    %reduce_sum3A = arith.constant dense<0.000000e+00> : vector<4096xf32>
    %reduce_sum3A_61 = vector.multi_reduction <add>, %exp3A_60, %reduce_sum3A [1] : vector<4096x128xf32> to vector<4096xf32>
    %broadcast_in_dim3A_62 = vector.shape_cast %reduce_sum3A_61 : vector<4096xf32> to vector<4096x1xf32>
    %log3A_63 = math.log %broadcast_in_dim3A_62 : vector<4096x1xf32>
    %add3A_64 = arith.addf %broadcast_in_dim3A_57, %log3A_63 : vector<4096x1xf32>
    %sub3A_65 = vector.broadcast %add3A_64 : vector<4096x1xf32> to vector<4096x128xf32>
    %sub3A_66 = arith.subf %add3A_55, %sub3A_65 : vector<4096x128xf32>
    %broadcast_in_dim3A_67 = vector.shape_cast %gt3A_33 : vector<4096x1xi1> to vector<4096x1xi1>
    %broadcast_in_dim3A_68 = vector.broadcast %broadcast_in_dim3A_67 : vector<4096x1xi1> to vector<4096x128xi1>
    %select_n3A_69 = arith.select %broadcast_in_dim3A_68, %get3A_19, %sub3A_66 : vector<4096x128xi1>, vector<4096x128xf32>
    %swap3A = arith.constant 0 : index
    %swap3A_70 = arith.constant 0 : index
    %swap3A_71 = vector.load %arg6[%swap3A, %swap3A_70] : memref<4096x128xf32, #tpu.memory_space<vmem>>, vector<4096x128xf32>
    tpu.vector_store %arg6[%swap3A, %swap3A_70], %select_n3A_69 {strides = array<i32>} : memref<4096x128xf32, #tpu.memory_space<vmem>>, vector<4096x128xf32>,
    %get3A_72 = arith.constant 0 : index
    %get3A_73 = arith.constant 0 : index
    %get3A_74 = vector.load %arg2[%get3A_72, %get3A_73] : memref<4096x128xf32, #tpu.memory_space<vmem>>, vector<4096x128xf32>
    %add3A_75 = arith.constant 1.000000e-30 : f32
    %add3A_76 = vector.broadcast %add3A_75 : f32 to vector<4096x128xf32>
    %add3A_77 = arith.addf %get3A_74, %add3A_76 : vector<4096x128xf32>
    %log3A_78 = math.log %add3A_77 : vector<4096x128xf32>
    %neg3A = arith.constant 0.000000e+00 : f32
    %neg3A_79 = vector.broadcast %neg3A : f32 to vector<4096x128xf32>
    %neg3A_80 = arith.subf %neg3A_79, %log3A_78 : vector<4096x128xf32>
    %add3A_81 = arith.constant 1.000000e-30 : f32
    %add3A_82 = vector.broadcast %add3A_81 : f32 to vector<4096x128xf32>
    %add3A_83 = arith.addf %neg3A_80, %add3A_82 : vector<4096x128xf32>
    %log3A_84 = math.log %add3A_83 : vector<4096x128xf32>
    %neg3A_85 = arith.constant 0.000000e+00 : f32
    %neg3A_86 = vector.broadcast %neg3A_85 : f32 to vector<4096x128xf32>
    %neg3A_87 = arith.subf %neg3A_86, %log3A_84 : vector<4096x128xf32>
    %add3A_88 = arith.addf %neg3A_87, %select_n3A_69 : vector<4096x128xf32>
    %broadcast_in_dim3A_89 = vector.shape_cast %gt3A_33 : vector<4096x1xi1> to vector<4096x1xi1>
    %broadcast_in_dim3A_90 = vector.broadcast %broadcast_in_dim3A_89 : vector<4096x1xi1> to vector<4096x128xi1>
    %select_n3A_91 = arith.select %broadcast_in_dim3A_90, %get3A_19, %add3A_88 : vector<4096x128xi1>, vector<4096x128xf32>
    %argmax3A = tpu.reduce_index %select_n3A_91 {axis = 1 : i32, kind = #tpu.reduction_kind<arg_max>} : vector<4096x128xf32> -> vector<4096xi32>
    %broadcast_in_dim3A_92 = vector.shape_cast %argmax3A : vector<4096xi32> to vector<4096x1xi32>
    %swap3A_93 = arith.constant 0 : index
    %swap3A_94 = arith.constant 0 : index
    %swap3A_95 = vector.load %arg7[%swap3A_93, %swap3A_94] : memref<4096x1xi32, #tpu.memory_space<vmem>>, vector<4096x1xi32>
    tpu.vector_store %arg7[%swap3A_93, %swap3A_94], %broadcast_in_dim3A_92 {strides = array<i32>} : memref<4096x1xi32, #tpu.memory_space<vmem>>, vector<4096x1xi32>,
    return
  }
  func.func @transform_0(%arg0: i32) -> (i32, i32) {
    %c0_i32 = arith.constant 0 : i32
    %c0_i32_0 = arith.constant 0 : i32
    return %arg0, %c0_i32 : i32, i32
  }
  func.func @transform_1(%arg0: i32) -> (i32, i32) {
    %c0_i32 = arith.constant 0 : i32
    %c0_i32_0 = arith.constant 0 : i32
    return %arg0, %c0_i32 : i32, i32
  }
  func.func @transform_2(%arg0: i32) -> (i32, i32) {
    %c0_i32 = arith.constant 0 : i32
    %c0_i32_0 = arith.constant 0 : i32
    return %arg0, %c0_i32 : i32, i32
  }
  func.func @transform_3(%arg0: i32) -> (i32, i32) {
    %c0_i32 = arith.constant 0 : i32
    %c0_i32_0 = arith.constant 0 : i32
    return %arg0, %c0_i32 : i32, i32
  }
  func.func @transform_4(%arg0: i32) -> (i32, i32) {
    %c0_i32 = arith.constant 0 : i32
    %c0_i32_0 = arith.constant 0 : i32
    %c0_i32_1 = arith.constant 0 : i32
    return %c0_i32, %c0_i32_0 : i32, i32
  }
  func.func @transform_5(%arg0: i32) -> (i32, i32) {
    %c0_i32 = arith.constant 0 : i32
    %c0_i32_0 = arith.constant 0 : i32
    return %arg0, %c0_i32 : i32, i32
  }
  func.func @transform_6(%arg0: i32) -> (i32, i32) {
    %c0_i32 = arith.constant 0 : i32
    %c0_i32_0 = arith.constant 0 : i32
    return %arg0, %c0_i32 : i32, i32
  }
}

</mosaic_0001>

<sc_bundles>
// kernel: kernel.4.cloned.1.call-start
scs
__scs_entry_jumppad:
0x0: {  	(pc) =	sbr.rel $0x88, $3  }
0x1: {  	(tag) =	ssettag $0x0;
	lr =	simm.s32 $0x1  }
0x2: {  	[smem:$0x3F9C] =	sst lr;
	_ =	strace $0xD0000000  }
0x3: {  	_ = 	snop  }
0x4: {  	_ = 	snop  }
0x5: {  	_ = 	snop  }
0x6: {  	_ = 	snop  }
0x7: {  	_ = 	snop  }
__scs_overlays_trampoline_lowered:
0x8: {  	[smem:$0x3FAB] =	sst s0  }
0x9: {  	[smem:$0x3FAC] =	sst s1  }
0xa: {  	[smem:$0x3FAD] =	sst s2  }
0xb: {  	[smem:$0x3FAE] =	sst s3  }
0xc: {  	[smem:$0x3FAF] =	sst s4  }
0xd: {  	[smem:$0x3FB0] =	sst s5  }
0xe: {  	[smem:$0x3FB1] =	sst s6  }
0xf: {  	[smem:$0x3FB2] =	sst s7  }
0x10: {  	[smem:$0x3FB3] =	sst s8  }
0x11: {  	[smem:$0x3FB4] =	sst s9;
	s0 =	simm.s32 @!p0 $0x0  }
0x12: {  	s1 =	sld [smem:$0x3F9A];
	s0 =	simm.s32 @p0 $0x1  }
0x13: {  	[smem:$0x3FB5] =	sst s0;
	s0 =	simm.s32 @!p1 $0x0  }
0x14: {  	s2 =	sld [smem:$0x3F99];
	s0 =	simm.s32 @p1 $0x1  }
0x15: {  	[smem:$0x3FB6] =	sst s0;
	s0 =	simm.s32 @!p2 $0x0  }
0x16: {  	s3 =	sld [smem:$0x3FDB];
	s0 =	simm.s32 @p2 $0x1  }
0x17: {  	s4 =	simm.s32 $0x1BF5;
	[smem:$0x3FB8] =	sst s0  }
0x18: {  	s0 =	sld [smem:$0x3F9B];
	_ =	swait.ge [sflag:s4], $0x0  }
0x19: {  	s7 =	sld [smem:$0x3F9C]  }
0x1a: {  	s8 =	sadd.s32 $0xFFFFE003, lr  }
0x1b: {  	s9 =	sadd.s32 $0xFFFFFEF7, lr;
	s5 =	simm.s32 $0xFFFFFFFF;
	p2 =	slt.u32 s8, $0xFFFFF086  }
0x1c: {  	p1 =	slt.u32 s9, $0xF7A;
	s5 =	simm.s32 @!p2 $0x0  }
0x1d: {  	s5 =	simm.s32 @p1 $0x1;
	p0 =	seq.s32 s7, s2  }
0x1e: {  	s7 =	smul.u32 @!p0 $0xF7A, s2;
	p2 =	seq.s32 @!p0 s5, $0x0  }
0x1f: {  	s9 =	smul.u32 $0xF7A, s1;
	s8 =	simm.s32 @!p0 $0x1BF5;
	p2 =	por !p2, p0  }
0x20: {  	[sflag:s8] =	ssyncset.s32 @!p0 $0xFFFFF086;
	s6 =	sadd.s32 @!p0 s3, s7;
	s7 =	simm.s32 @!p0 $0x108  }
0x21: {  	s3 =	sadd.s32 s3, s9;
	s6 =	sadd.s32 @!p0 $0x88, s6;
	s7 =	simm.s32 @p2 $0x1082  }
0x22: {  	[simem:s7], [sflag:s8] =	dma.local @!p0 [hbm:s6], $0xF7A  }
0x23: {  	s9 =	sor.u32 $0xD0000000, s2;
	s6 =	simm.s32 $0x108;
	_ =	swait.ge @!p0 [sflag:s8], $0x0  }
0x24: {  	s3 =	sadd.s32 $0x88, s3;
	s6 =	simm.s32 @!p1 $0x1082;
	[sflag:s4] =	ssyncset.s32 $0xFFFFF086  }
0x25: {  	[simem:s6], [sflag:s4] =	dma.local [hbm:s3], $0xF7A  }
0x26: {  	[smem:$0x3F9C] =	sst s1;
	(tag) =	ssettag s2;
	_ =	strace s9  }
0x27: {  	s1 =	sld [smem:$0x3FAC]  }
0x28: {  	s2 =	sld [smem:$0x3FAD]  }
0x29: {  	s4 =	sld [smem:$0x3FAF]  }
0x2a: {  	p0 =	seq.s32 s5, $0x0;
	s5 =	sld [smem:$0x3FB0]  }
0x2b: {  	s6 =	sld [smem:$0x3FB1]  }
0x2c: {  	s7 =	sld [smem:$0x3FB2]  }
0x2d: {  	s3 =	simm.s32 $0x108;
	s8 =	sld [smem:$0x3FB3]  }
0x2e: {  	s3 =	simm.s32 @!p0 $0x1082;
	s9 =	sld [smem:$0x3FB4]  }
0x2f: {  	lr =	sadd.s32 s0, s3;
	s0 =	sld [smem:$0x3FAB]  }
0x30: {  	s3 =	sld [smem:$0x3FAE]  }
0x31: {  	[smem:$0x3FB7] =	sst s10  }
0x32: {  	s10 =	sld [smem:$0x3FB5];
	_ =	sdelay $0x3  }
0x33: {  	p0 =	seq.s32 s10, $0x1;
	s10 =	sld [smem:$0x3FB7];
	_ =	sdelay $0x3  }
0x34: {  	[smem:$0x3FB7] =	sst s10  }
0x35: {  	s10 =	sld [smem:$0x3FB6];
	_ =	sdelay $0x3  }
0x36: {  	p1 =	seq.s32 s10, $0x1;
	s10 =	sld [smem:$0x3FB7];
	_ =	sdelay $0x3  }
0x37: {  	[smem:$0x3FB7] =	sst s10  }
0x38: {  	s10 =	sld [smem:$0x3FB8]  }
0x39: {  	_ = 	snop;
	(pc) =	sbr.ind lr, $3  }
0x3a: {  	_ = 	snop  }
0x3b: {  	_ = 	snop  }
0x3c: {  	p2 =	seq.s32 s10, $0x1;
	s10 =	sld [smem:$0x3FB7]  }
0x3d: {  	_ =	shalt  }
0x3e: {  	_ =	shalt  }
0x3f: {  	_ =	shalt  }
0x40: {  	_ =	shalt  }
0x41: {  	_ =	shalt  }
0x42: {  	_ =	shalt  }
0x43: {  	_ =	shalt  }
0x44: {  	_ =	shalt  }
0x45: {  	_ =	shalt  }
0x46: {  	_ =	shalt  }
0x47: {  	_ =	shalt  }
0x48: {  	_ =	shalt  }
0x49: {  	_ =	shalt  }
0x4a: {  	_ =	shalt  }
0x4b: {  	_ =	shalt  }
0x4c: {  	_ =	shalt  }
0x4d: {  	_ =	shalt  }
0x4e: {  	_ =	shalt  }
0x4f: {  	_ =	shalt  }
0x50: {  	_ =	shalt  }
0x51: {  	_ =	shalt  }
0x52: {  	_ =	shalt  }
0x53: {  	_ =	shalt  }
0x54: {  	_ =	shalt  }
0x55: {  	_ =	shalt  }
0x56: {  	_ =	shalt  }
0x57: {  	_ =	shalt  }
0x58: {  	_ =	shalt  }
0x59: {  	_ =	shalt  }
0x5a: {  	_ =	shalt  }
0x5b: {  	_ =	shalt  }
0x5c: {  	_ =	shalt  }
0x5d: {  	_ =	shalt  }
0x5e: {  	_ =	shalt  }
0x5f: {  	_ =	shalt  }
0x60: {  	_ =	shalt  }
0x61: {  	_ =	shalt  }
0x62: {  	_ =	shalt  }
0x63: {  	_ =	shalt  }
0x64: {  	_ =	shalt  }
0x65: {  	_ =	shalt  }
0x66: {  	_ =	shalt  }
0x67: {  	_ =	shalt  }
0x68: {  	_ =	shalt  }
0x69: {  	_ =	shalt  }
0x6a: {  	_ =	shalt  }
0x6b: {  	_ =	shalt  }
0x6c: {  	_ =	shalt  }
0x6d: {  	_ =	shalt  }
0x6e: {  	_ =	shalt  }
0x6f: {  	_ =	shalt  }
0x70: {  	_ =	shalt  }
0x71: {  	_ =	shalt  }
0x72: {  	_ =	shalt  }
0x73: {  	_ =	shalt  }
0x74: {  	_ =	shalt  }
0x75: {  	_ =	shalt  }
0x76: {  	_ =	shalt  }
0x77: {  	_ =	shalt  }
0x78: {  	_ =	shalt  }
0x79: {  	_ =	shalt  }
0x7a: {  	_ =	shalt  }
0x7b: {  	_ =	shalt  }
0x7c: {  	_ =	shalt  }
0x7d: {  	_ =	shalt  }
0x7e: {  	_ =	shalt  }
0x7f: {  	_ =	shalt  }
0x80: {  	_ =	shalt  }
0x81: {  	_ =	shalt  }
0x82: {  	_ =	shalt  }
0x83: {  	_ =	shalt  }
0x84: {  	_ =	shalt  }
0x85: {  	_ =	shalt  }
0x86: {  	_ =	shalt  }
0x87: {  	_ =	shalt  }
.Lfunc_end0:
.L_simem_size_0:
called_computation_lowered:
.L_overlay_start_0:
0x88: {  	s0 =	sld [smem:$0x3FD9]  }
0x89: {  	s1 =	sld [smem:$0x3FFE];
	_ =	sdelay $0x3  }
0x8a: {  	s0 =	sadd.s32 s1, s0  }
0x8b: {  	[smem:$0x3FC3] =	sst s0  }
0x8c: {  	_ = 	snop  }
0x8d: {  	s0 =	sld [smem:$0x3FD0];
	_ =	sdelay $0x1  }
0x8e: {  	s14 =	sld [smem:$0x3FC6]  }
0x8f: {  	s3 =	simm.s32 $0xA;
	s4 =	simm.s32 $0x10;
	s2 =	sld [smem:$0x3FC5]  }
0x90: {  	[smem:s4], [sflag:s3] =	dma.local [hbm:s0], $0x1  }
0x91: {  	_ =	swait.eq [sflag:s3], $0x1  }
0x92: {  	[sflag:s3] =	ssyncset.done $0x0  }
0x93: {  	[sflag:s3] =	ssyncadd.s32 $0xFFFFFFFF  }
0x94: {  	s15 =	sld [smem:$0x11];
	(tm) =	ssettm $0x1  }
0x95: {  	s16 =	sld [smem:$0x3FFB];
	_ =	sdelay $0x3  }
0x96: {  	_ =	strace s16  }
0x97: {  	s3 =	sld [smem:$0x3FFC];
	_ =	sdelay $0x3  }
0x98: {  	_ =	strace s3  }
0x99: {  	s3 =	sld [smem:$0x3FFD];
	_ =	sdelay $0x3  }
0x9a: {  	_ =	strace s3  }
0x9b: {  	_ =	strace $0x8FFFFFFF  }
0x9c: {  	s17 =	sld [smem:$0x3FDB];
	_ =	sdelay $0x1  }
0x9d: {  	s18 =	simm.s32 $_scs_section_size  }
0x9e: {  	s5 =	simm.s32 $_size__tile_overlayer_lowered;
	s6 =	simm.s32 $_tile_overlayer_lowered  }
0x9f: {  	s21 =	simm.s32 $0x1BFF;
	s20 =	sshll.u32 s6, $0x1;
	s3 =	sadd.s32 s18, s17  }
0xa0: {  	s7 =	simm.s32 $0x0;
	s19 =	sshll.u32 s5, $0x1;
	s5 =	sadd.s32 s20, s3  }
0xa1: {  	[timem:s7], [sflag:s21] =	dma.local [hbm:s5], s19  }
0xa2: {  	_ =	swait.ge [sflag:s21], s19  }
0xa3: {  	s4 =	ssub.s32 $0x0, s19;
	[sflag:s21] =	ssyncset.done $0x0  }
0xa4: {  	[sflag:s21] =	ssyncadd.s32 s4;
	_ =	sdelay $0x1  }
0xa5: {  	s22 =	simm.s32 $0x1B8B  }
0xa6: {  	_ =	swait.ge [sflag:s22], $0x1  }
0xa7: {  	[sflag:s22] =	ssyncset.done $0x0  }
0xa8: {  	s23 =	simm.s32 $0x1B8E;
	[sflag:s22] =	ssyncadd.s32 $0xFFFFFFFF  }
0xa9: {  	s24 =	simm.s32 $execute0_lowered;
	[smem:$0x3FD2] =	sst s23  }
0xaa: {  	s4 =	sshll.u32 s24, $0x1;
	_ =	strace $0x80000046;
	[dreg:$0x1] =	wrdreg $0xFFFFFFFF  }
0xab: {  	s25 =	simm.s32 $_size_execute0_lowered;
	s3 =	sadd.s32 s3, s4;
	[dreg:$0x0] =	wrdreg $0x0  }
0xac: {  	s4 =	sshll.u32 s25, $0x1;
	[dreg:$0x2] =	wrdreg s3  }
0xad: {  	[dreg:$0x3] =	wrdreg s4  }
0xae: {  	[dreg:$0x4] =	wrdreg $0xC0  }
0xaf: {  	_ =	task [dreg:s7], $0x5FFFF  }
0xb0: {  	[dreg:$0x1] =	wrdreg $0xFFFFFFFF  }
0xb1: {  	[dreg:$0x0] =	wrdreg $0x60  }
0xb2: {  	[dreg:$0x2] =	wrdreg s14  }
0xb3: {  	[dreg:$0x3] =	wrdreg s2  }
0xb4: {  	[dreg:$0x4] =	wrdreg s15  }
0xb5: {  	[dreg:$0x5] =	wrdreg $0x9  }
0xb6: {  	_ =	task.clear_ibuf [dreg:s7], $0x6FFFF;
	_ =	strace $0x90000046  }
0xb7: {  	s26 =	simm.s32 $0x9;
	_ =	strace $0x80000048  }
0xb8: {  	_ =	swait.ge [sflag:s26], $0x1  }
0xb9: {  	[sflag:s26] =	ssyncadd.s32 $0xFFFFFFFF  }
0xba: {  	_ =	strace $0x90000048  }
0xbb: {  	_ =	sfence  }
0xbc: {  	s28 =	sld [smem:$0x0];
	_ =	sdelay $0x1  }
0xbd: {  	s29 =	srdreg.scid  }
0xbe: {  	s30 =	sshll.u32 s29, $0xD;
	s31 =	sshrl.u32 s29, $0x2  }
0xbf: {  	s1 =	sand.u32 $0x1, s29;
	s2 =	sand.u32 $0x4000, s30;
	s0 =	sadd.s32 s31, s28  }
0xc0: {  	s1 =	sor.u32 s2, s1;
	s0 =	sshll.u32 s0, $0x11  }
0xc1: {  	s0 =	sor.u32 s0, s1  }
0xc2: {  	s0 =	sadd.s32 $0x8F2B, s0  }
0xc3: {  	[sflag:s0] =	ssyncadd.remote.s32 $0x1  }
0xc4: {  	_ =	sfence.sel $0xFFFF  }
0xc5: {  	[dreg:$0x0] =	wrdreg $0xFFFFFFFF;
	(pc) =	sbr.abs _section_cstart, $3  }
0xc6: {  	[dreg:$0x1] =	wrdreg $0xFFFFFFFF  }
0xc7: {  	_ =	task.clear_ibuf [dreg:s7], $0x2FFFF;
	_ =	strace $0x9FFFFFFF  }
0xc8: {  	(tm) =	ssettm $0x7FFFFFFF  }
0xc9: {  	_ =	shalt  }
tec
execute0_lowered:
.L_overlay_start_1:
0x0: {  	(tag) =	ssettag $0x1  }
0x1: {  	s1 =	rddreg [dreg:$0x0]  }
0x2: {  	s6 =	rddreg [dreg:$0x1]  }
0x3: {  	s3 =	rddreg [dreg:$0x2];
	s2 =	simm.s32 $0x0  }
0x4: {  	[smem:$0x7FF] =	sst s2  }
0x5: {  	s0 =	rddreg [dreg:$0x3];
	s4 =	simm.s32 $0x1;
	_ =	strace $0x80000047  }
0x6: {  	[tilespmem:s2], [sflag:$0x1] =	stream.linear.gather [hbm4b:s1+s2], $0x80, $0x38;
	[tilespmem:$0x1080] =	vst v63  }
0x7: {  	s30 =	stileid.u32;
	_ =	swait.ge [sflag:s4], $0x80  }
0x8: {  	s5 =	sshll.u32 s30, $0x8;
	[sflag:s4] =	ssyncset.done $0x0  }
0x9: {  	s7 =	simm.s32 $0x80;
	s6 =	sadd.s32 s6, s5;
	[sflag:s4] =	ssyncadd.s32 $0xFFFFFF80  }
0xa: {  	[tilespmem:s7], [sflag:$0x1] =	stream.linear.gather [hbm4b:s6+s2], $0x800, $0x38;
	[tilespmem:$0x1080] =	vst v63  }
0xb: {  	_ =	swait.ge [sflag:s4], $0x800  }
0xc: {  	[sflag:s4] =	ssyncset.done $0x0  }
0xd: {  	[sflag:s4] =	ssyncadd.s32 $0xFFFFF800  }
0xe: {  	v0 =	vld [tilespmem:$0x80];
	_ =	sdelay $0x5  }
0xf: {  	v1 =	vld [tilespmem:$0x90];
	_ =	sdelay $0x1  }
0x10: {  	v0 =	vld.idx.msk [tilespmem:v0+s2+$0x0], $0xffff;
	_ =	sdelay $0x3  }
0x11: {  	v2 =	vld [tilespmem:$0xA0]  }
0x12: {  	[tilespmem:$0x880] =	vst v0  }
0x13: {  	v0 =	vld.idx.msk [tilespmem:v1+s2+$0x0], $0xffff;
	_ =	sdelay $0x3  }
0x14: {  	v59 =	vld [tilespmem:$0xB0]  }
0x15: {  	[tilespmem:$0x890] =	vst v0  }
0x16: {  	v0 =	vld.idx.msk [tilespmem:v2+s2+$0x0], $0xffff;
	_ =	sdelay $0x3  }
0x17: {  	v60 =	vld [tilespmem:$0xC0]  }
0x18: {  	[tilespmem:$0x8A0] =	vst v0  }
0x19: {  	v0 =	vld.idx.msk [tilespmem:v59+s2+$0x0], $0xffff;
	_ =	sdelay $0x3  }
0x1a: {  	v61 =	vld [tilespmem:$0xD0]  }
0x1b: {  	[tilespmem:$0x8B0] =	vst v0  }
0x1c: {  	v0 =	vld.idx.msk [tilespmem:v60+s2+$0x0], $0xffff;
	_ =	sdelay $0x3  }
0x1d: {  	v62 =	vld [tilespmem:$0xE0]  }
0x1e: {  	[tilespmem:$0x8C0] =	vst v0  }
0x1f: {  	v0 =	vld.idx.msk [tilespmem:v61+s2+$0x0], $0xffff;
	_ =	sdelay $0x3  }
0x20: {  	v63 =	vld [tilespmem:$0xF0]  }
0x21: {  	[tilespmem:$0x8D0] =	vst v0  }
0x22: {  	v0 =	vld.idx.msk [tilespmem:v62+s2+$0x0], $0xffff;
	_ =	sdelay $0x3  }
0x23: {  	v4 =	vld [tilespmem:$0x100]  }
0x24: {  	[tilespmem:$0x8E0] =	vst v0  }
0x25: {  	v0 =	vld.idx.msk [tilespmem:v63+s2+$0x0], $0xffff;
	_ =	sdelay $0x3  }
0x26: {  	v5 =	vld [tilespmem:$0x110]  }
0x27: {  	[tilespmem:$0x8F0] =	vst v0  }
0x28: {  	v0 =	vld.idx.msk [tilespmem:v4+s2+$0x0], $0xffff;
	_ =	sdelay $0x3  }
0x29: {  	v6 =	vld [tilespmem:$0x120]  }
0x2a: {  	[tilespmem:$0x900] =	vst v0  }
0x2b: {  	v0 =	vld.idx.msk [tilespmem:v5+s2+$0x0], $0xffff;
	_ =	sdelay $0x3  }
0x2c: {  	v7 =	vld [tilespmem:$0x130]  }
0x2d: {  	[tilespmem:$0x910] =	vst v0  }
0x2e: {  	v0 =	vld.idx.msk [tilespmem:v6+s2+$0x0], $0xffff;
	_ =	sdelay $0x3  }
0x2f: {  	v8 =	vld [tilespmem:$0x140]  }
0x30: {  	[tilespmem:$0x920] =	vst v0  }
0x31: {  	v0 =	vld.idx.msk [tilespmem:v7+s2+$0x0], $0xffff;
	_ =	sdelay $0x3  }
0x32: {  	v9 =	vld [tilespmem:$0x150]  }
0x33: {  	[tilespmem:$0x930] =	vst v0  }
0x34: {  	v0 =	vld.idx.msk [tilespmem:v8+s2+$0x0], $0xffff;
	_ =	sdelay $0x3  }
0x35: {  	v10 =	vld [tilespmem:$0x160]  }
0x36: {  	[tilespmem:$0x940] =	vst v0  }
0x37: {  	v0 =	vld.idx.msk [tilespmem:v9+s2+$0x0], $0xffff;
	_ =	sdelay $0x3  }
0x38: {  	v11 =	vld [tilespmem:$0x170]  }
0x39: {  	[tilespmem:$0x950] =	vst v0  }
0x3a: {  	v0 =	vld.idx.msk [tilespmem:v10+s2+$0x0], $0xffff;
	_ =	sdelay $0x3  }
0x3b: {  	v12 =	vld [tilespmem:$0x180]  }
0x3c: {  	[tilespmem:$0x960] =	vst v0  }
0x3d: {  	v0 =	vld.idx.msk [tilespmem:v11+s2+$0x0], $0xffff;
	_ =	sdelay $0x3  }
0x3e: {  	v13 =	vld [tilespmem:$0x190]  }
0x3f: {  	[tilespmem:$0x970] =	vst v0  }
0x40: {  	v0 =	vld.idx.msk [tilespmem:v12+s2+$0x0], $0xffff;
	_ =	sdelay $0x3  }
0x41: {  	v14 =	vld [tilespmem:$0x1A0]  }
0x42: {  	[tilespmem:$0x980] =	vst v0  }
0x43: {  	v0 =	vld.idx.msk [tilespmem:v13+s2+$0x0], $0xffff;
	_ =	sdelay $0x3  }
0x44: {  	v15 =	vld [tilespmem:$0x1B0]  }
0x45: {  	[tilespmem:$0x990] =	vst v0  }
0x46: {  	v0 =	vld.idx.msk [tilespmem:v14+s2+$0x0], $0xffff;
	_ =	sdelay $0x3  }
0x47: {  	v16 =	vld [tilespmem:$0x1C0]  }
0x48: {  	[tilespmem:$0x9A0] =	vst v0  }
0x49: {  	v0 =	vld.idx.msk [tilespmem:v15+s2+$0x0], $0xffff;
	_ =	sdelay $0x3  }
0x4a: {  	v17 =	vld [tilespmem:$0x1D0]  }
0x4b: {  	[tilespmem:$0x9B0] =	vst v0  }
0x4c: {  	v0 =	vld.idx.msk [tilespmem:v16+s2+$0x0], $0xffff;
	_ =	sdelay $0x3  }
0x4d: {  	v18 =	vld [tilespmem:$0x1E0]  }
0x4e: {  	[tilespmem:$0x9C0] =	vst v0  }
0x4f: {  	v0 =	vld.idx.msk [tilespmem:v17+s2+$0x0], $0xffff;
	_ =	sdelay $0x3  }
0x50: {  	v19 =	vld [tilespmem:$0x1F0]  }
0x51: {  	[tilespmem:$0x9D0] =	vst v0  }
0x52: {  	v0 =	vld.idx.msk [tilespmem:v18+s2+$0x0], $0xffff;
	_ =	sdelay $0x3  }
0x53: {  	v20 =	vld [tilespmem:$0x200]  }
0x54: {  	[tilespmem:$0x9E0] =	vst v0  }
0x55: {  	v0 =	vld.idx.msk [tilespmem:v19+s2+$0x0], $0xffff;
	_ =	sdelay $0x3  }
0x56: {  	v21 =	vld [tilespmem:$0x210]  }
0x57: {  	[tilespmem:$0x9F0] =	vst v0  }
0x58: {  	v0 =	vld.idx.msk [tilespmem:v20+s2+$0x0], $0xffff;
	_ =	sdelay $0x3  }
0x59: {  	v22 =	vld [tilespmem:$0x220]  }
0x5a: {  	[tilespmem:$0xA00] =	vst v0  }
0x5b: {  	v0 =	vld.idx.msk [tilespmem:v21+s2+$0x0], $0xffff;
	_ =	sdelay $0x3  }
0x5c: {  	v23 =	vld [tilespmem:$0x230]  }
0x5d: {  	[tilespmem:$0xA10] =	vst v0  }
0x5e: {  	v0 =	vld.idx.msk [tilespmem:v22+s2+$0x0], $0xffff;
	_ =	sdelay $0x3  }
0x5f: {  	v24 =	vld [tilespmem:$0x240]  }
0x60: {  	[tilespmem:$0xA20] =	vst v0  }
0x61: {  	v0 =	vld.idx.msk [tilespmem:v23+s2+$0x0], $0xffff;
	_ =	sdelay $0x3  }
0x62: {  	v25 =	vld [tilespmem:$0x250]  }
0x63: {  	[tilespmem:$0xA30] =	vst v0  }
0x64: {  	v0 =	vld.idx.msk [tilespmem:v24+s2+$0x0], $0xffff;
	_ =	sdelay $0x3  }
0x65: {  	v26 =	vld [tilespmem:$0x260]  }
0x66: {  	[tilespmem:$0xA40] =	vst v0  }
0x67: {  	v0 =	vld.idx.msk [tilespmem:v25+s2+$0x0], $0xffff;
	_ =	sdelay $0x3  }
0x68: {  	v27 =	vld [tilespmem:$0x270]  }
0x69: {  	[tilespmem:$0xA50] =	vst v0  }
0x6a: {  	v0 =	vld.idx.msk [tilespmem:v26+s2+$0x0], $0xffff;
	_ =	sdelay $0x3  }
0x6b: {  	v28 =	vld [tilespmem:$0x280]  }
0x6c: {  	[tilespmem:$0xA60] =	vst v0  }
0x6d: {  	v0 =	vld.idx.msk [tilespmem:v27+s2+$0x0], $0xffff;
	_ =	sdelay $0x3  }
0x6e: {  	v29 =	vld [tilespmem:$0x290]  }
0x6f: {  	[tilespmem:$0xA70] =	vst v0  }
0x70: {  	v0 =	vld.idx.msk [tilespmem:v28+s2+$0x0], $0xffff;
	_ =	sdelay $0x3  }
0x71: {  	v30 =	vld [tilespmem:$0x2A0]  }
0x72: {  	[tilespmem:$0xA80] =	vst v0  }
0x73: {  	v0 =	vld.idx.msk [tilespmem:v29+s2+$0x0], $0xffff;
	_ =	sdelay $0x3  }
0x74: {  	v31 =	vld [tilespmem:$0x2B0]  }
0x75: {  	[tilespmem:$0xA90] =	vst v0  }
0x76: {  	v0 =	vld.idx.msk [tilespmem:v30+s2+$0x0], $0xffff;
	_ =	sdelay $0x3  }
0x77: {  	v32 =	vld [tilespmem:$0x2C0]  }
0x78: {  	[tilespmem:$0xAA0] =	vst v0  }
0x79: {  	v0 =	vld.idx.msk [tilespmem:v31+s2+$0x0], $0xffff;
	_ =	sdelay $0x3  }
0x7a: {  	v33 =	vld [tilespmem:$0x2D0]  }
0x7b: {  	[tilespmem:$0xAB0] =	vst v0  }
0x7c: {  	v0 =	vld.idx.msk [tilespmem:v32+s2+$0x0], $0xffff;
	_ =	sdelay $0x3  }
0x7d: {  	v34 =	vld [tilespmem:$0x2E0]  }
0x7e: {  	[tilespmem:$0xAC0] =	vst v0  }
0x7f: {  	v0 =	vld.idx.msk [tilespmem:v33+s2+$0x0], $0xffff;
	_ =	sdelay $0x3  }
0x80: {  	v35 =	vld [tilespmem:$0x2F0]  }
0x81: {  	[tilespmem:$0xAD0] =	vst v0  }
0x82: {  	v0 =	vld.idx.msk [tilespmem:v34+s2+$0x0], $0xffff;
	_ =	sdelay $0x3  }
0x83: {  	v36 =	vld [tilespmem:$0x300]  }
0x84: {  	[tilespmem:$0xAE0] =	vst v0  }
0x85: {  	v0 =	vld.idx.msk [tilespmem:v35+s2+$0x0], $0xffff;
	_ =	sdelay $0x3  }
0x86: {  	v37 =	vld [tilespmem:$0x310]  }
0x87: {  	[tilespmem:$0xAF0] =	vst v0  }
0x88: {  	v0 =	vld.idx.msk [tilespmem:v36+s2+$0x0], $0xffff;
	_ =	sdelay $0x3  }
0x89: {  	v38 =	vld [tilespmem:$0x320]  }
0x8a: {  	[tilespmem:$0xB00] =	vst v0  }
0x8b: {  	v0 =	vld.idx.msk [tilespmem:v37+s2+$0x0], $0xffff;
	_ =	sdelay $0x3  }
0x8c: {  	v39 =	vld [tilespmem:$0x330]  }
0x8d: {  	[tilespmem:$0xB10] =	vst v0  }
0x8e: {  	v0 =	vld.idx.msk [tilespmem:v38+s2+$0x0], $0xffff;
	_ =	sdelay $0x3  }
0x8f: {  	v40 =	vld [tilespmem:$0x340]  }
0x90: {  	[tilespmem:$0xB20] =	vst v0  }
0x91: {  	v0 =	vld.idx.msk [tilespmem:v39+s2+$0x0], $0xffff;
	_ =	sdelay $0x3  }
0x92: {  	v41 =	vld [tilespmem:$0x350]  }
0x93: {  	[tilespmem:$0xB30] =	vst v0  }
0x94: {  	v0 =	vld.idx.msk [tilespmem:v40+s2+$0x0], $0xffff;
	_ =	sdelay $0x3  }
0x95: {  	v42 =	vld [tilespmem:$0x360]  }
0x96: {  	[tilespmem:$0xB40] =	vst v0  }
0x97: {  	v0 =	vld.idx.msk [tilespmem:v41+s2+$0x0], $0xffff;
	_ =	sdelay $0x3  }
0x98: {  	v43 =	vld [tilespmem:$0x370]  }
0x99: {  	[tilespmem:$0xB50] =	vst v0  }
0x9a: {  	v0 =	vld.idx.msk [tilespmem:v42+s2+$0x0], $0xffff;
	_ =	sdelay $0x3  }
0x9b: {  	v44 =	vld [tilespmem:$0x380]  }
0x9c: {  	[tilespmem:$0xB60] =	vst v0  }
0x9d: {  	v0 =	vld.idx.msk [tilespmem:v43+s2+$0x0], $0xffff;
	_ =	sdelay $0x3  }
0x9e: {  	v45 =	vld [tilespmem:$0x390]  }
0x9f: {  	[tilespmem:$0xB70] =	vst v0  }
0xa0: {  	v0 =	vld.idx.msk [tilespmem:v44+s2+$0x0], $0xffff;
	_ =	sdelay $0x3  }
0xa1: {  	v46 =	vld [tilespmem:$0x3A0]  }
0xa2: {  	[tilespmem:$0xB80] =	vst v0  }
0xa3: {  	v0 =	vld.idx.msk [tilespmem:v45+s2+$0x0], $0xffff;
	_ =	sdelay $0x3  }
0xa4: {  	v47 =	vld [tilespmem:$0x3B0]  }
0xa5: {  	[tilespmem:$0xB90] =	vst v0  }
0xa6: {  	v0 =	vld.idx.msk [tilespmem:v46+s2+$0x0], $0xffff;
	_ =	sdelay $0x3  }
0xa7: {  	v48 =	vld [tilespmem:$0x3C0]  }
0xa8: {  	[tilespmem:$0xBA0] =	vst v0  }
0xa9: {  	v0 =	vld.idx.msk [tilespmem:v47+s2+$0x0], $0xffff;
	_ =	sdelay $0x3  }
0xaa: {  	v49 =	vld [tilespmem:$0x3D0]  }
0xab: {  	[tilespmem:$0xBB0] =	vst v0  }
0xac: {  	v0 =	vld.idx.msk [tilespmem:v48+s2+$0x0], $0xffff;
	_ =	sdelay $0x3  }
0xad: {  	v50 =	vld [tilespmem:$0x3E0]  }
0xae: {  	[tilespmem:$0xBC0] =	vst v0  }
0xaf: {  	v0 =	vld.idx.msk [tilespmem:v49+s2+$0x0], $0xffff;
	_ =	sdelay $0x3  }
0xb0: {  	v51 =	vld [tilespmem:$0x3F0]  }
0xb1: {  	[tilespmem:$0xBD0] =	vst v0  }
0xb2: {  	v0 =	vld.idx.msk [tilespmem:v50+s2+$0x0], $0xffff;
	_ =	sdelay $0x3  }
0xb3: {  	v52 =	vld [tilespmem:$0x400]  }
0xb4: {  	[tilespmem:$0xBE0] =	vst v0  }
0xb5: {  	v0 =	vld.idx.msk [tilespmem:v51+s2+$0x0], $0xffff;
	_ =	sdelay $0x3  }
0xb6: {  	v53 =	vld [tilespmem:$0x410]  }
0xb7: {  	[tilespmem:$0xBF0] =	vst v0  }
0xb8: {  	v0 =	vld.idx.msk [tilespmem:v52+s2+$0x0], $0xffff;
	_ =	sdelay $0x3  }
0xb9: {  	v54 =	vld [tilespmem:$0x420]  }
0xba: {  	[tilespmem:$0xC00] =	vst v0  }
0xbb: {  	v0 =	vld.idx.msk [tilespmem:v53+s2+$0x0], $0xffff;
	_ =	sdelay $0x3  }
0xbc: {  	v55 =	vld [tilespmem:$0x430]  }
0xbd: {  	[tilespmem:$0xC10] =	vst v0  }
0xbe: {  	v0 =	vld.idx.msk [tilespmem:v54+s2+$0x0], $0xffff;
	_ =	sdelay $0x3  }
0xbf: {  	v56 =	vld [tilespmem:$0x440]  }
0xc0: {  	[tilespmem:$0xC20] =	vst v0  }
0xc1: {  	v0 =	vld.idx.msk [tilespmem:v55+s2+$0x0], $0xffff;
	_ =	sdelay $0x3  }
0xc2: {  	v57 =	vld [tilespmem:$0x450]  }
0xc3: {  	[tilespmem:$0xC30] =	vst v0  }
0xc4: {  	v0 =	vld.idx.msk [tilespmem:v56+s2+$0x0], $0xffff;
	_ =	sdelay $0x3  }
0xc5: {  	v58 =	vld [tilespmem:$0x460]  }
0xc6: {  	[tilespmem:$0xC40] =	vst v0  }
0xc7: {  	v0 =	vld.idx.msk [tilespmem:v57+s2+$0x0], $0xffff;
	_ =	sdelay $0x3  }
0xc8: {  	v59 =	vld [tilespmem:$0x470]  }
0xc9: {  	[tilespmem:$0xC50] =	vst v0  }
0xca: {  	v0 =	vld.idx.msk [tilespmem:v58+s2+$0x0], $0xffff;
	_ =	sdelay $0x3  }
0xcb: {  	v60 =	vld [tilespmem:$0x480]  }
0xcc: {  	[tilespmem:$0xC60] =	vst v0  }
0xcd: {  	v0 =	vld.idx.msk [tilespmem:v59+s2+$0x0], $0xffff;
	_ =	sdelay $0x3  }
0xce: {  	v61 =	vld [tilespmem:$0x490]  }
0xcf: {  	[tilespmem:$0xC70] =	vst v0  }
0xd0: {  	v0 =	vld.idx.msk [tilespmem:v60+s2+$0x0], $0xffff;
	_ =	sdelay $0x3  }
0xd1: {  	v62 =	vld [tilespmem:$0x4A0]  }
0xd2: {  	[tilespmem:$0xC80] =	vst v0  }
0xd3: {  	v0 =	vld.idx.msk [tilespmem:v61+s2+$0x0], $0xffff;
	_ =	sdelay $0x3  }
0xd4: {  	v63 =	vld [tilespmem:$0x4B0]  }
0xd5: {  	[tilespmem:$0xC90] =	vst v0  }
0xd6: {  	v0 =	vld.idx.msk [tilespmem:v62+s2+$0x0], $0xffff;
	_ =	sdelay $0x3  }
0xd7: {  	v4 =	vld [tilespmem:$0x4C0]  }
0xd8: {  	[tilespmem:$0xCA0] =	vst v0  }
0xd9: {  	v0 =	vld.idx.msk [tilespmem:v63+s2+$0x0], $0xffff;
	_ =	sdelay $0x3  }
0xda: {  	v5 =	vld [tilespmem:$0x4D0]  }
0xdb: {  	[tilespmem:$0xCB0] =	vst v0  }
0xdc: {  	v0 =	vld.idx.msk [tilespmem:v4+s2+$0x0], $0xffff;
	_ =	sdelay $0x3  }
0xdd: {  	v6 =	vld [tilespmem:$0x4E0]  }
0xde: {  	[tilespmem:$0xCC0] =	vst v0  }
0xdf: {  	v0 =	vld.idx.msk [tilespmem:v5+s2+$0x0], $0xffff;
	_ =	sdelay $0x3  }
0xe0: {  	v7 =	vld [tilespmem:$0x4F0]  }
0xe1: {  	[tilespmem:$0xCD0] =	vst v0  }
0xe2: {  	v0 =	vld.idx.msk [tilespmem:v6+s2+$0x0], $0xffff;
	_ =	sdelay $0x3  }
0xe3: {  	v8 =	vld [tilespmem:$0x500]  }
0xe4: {  	[tilespmem:$0xCE0] =	vst v0  }
0xe5: {  	v0 =	vld.idx.msk [tilespmem:v7+s2+$0x0], $0xffff;
	_ =	sdelay $0x3  }
0xe6: {  	v9 =	vld [tilespmem:$0x510]  }
0xe7: {  	[tilespmem:$0xCF0] =	vst v0  }
0xe8: {  	v0 =	vld.idx.msk [tilespmem:v8+s2+$0x0], $0xffff;
	_ =	sdelay $0x3  }
0xe9: {  	v10 =	vld [tilespmem:$0x520]  }
0xea: {  	[tilespmem:$0xD00] =	vst v0  }
0xeb: {  	v0 =	vld.idx.msk [tilespmem:v9+s2+$0x0], $0xffff;
	_ =	sdelay $0x3  }
0xec: {  	v11 =	vld [tilespmem:$0x530]  }
0xed: {  	[tilespmem:$0xD10] =	vst v0  }
0xee: {  	v0 =	vld.idx.msk [tilespmem:v10+s2+$0x0], $0xffff;
	_ =	sdelay $0x3  }
0xef: {  	v12 =	vld [tilespmem:$0x540]  }
0xf0: {  	[tilespmem:$0xD20] =	vst v0  }
0xf1: {  	v0 =	vld.idx.msk [tilespmem:v11+s2+$0x0], $0xffff;
	_ =	sdelay $0x3  }
0xf2: {  	v13 =	vld [tilespmem:$0x550]  }
0xf3: {  	[tilespmem:$0xD30] =	vst v0  }
0xf4: {  	v0 =	vld.idx.msk [tilespmem:v12+s2+$0x0], $0xffff;
	_ =	sdelay $0x3  }
0xf5: {  	v14 =	vld [tilespmem:$0x560]  }
0xf6: {  	[tilespmem:$0xD40] =	vst v0  }
0xf7: {  	v0 =	vld.idx.msk [tilespmem:v13+s2+$0x0], $0xffff;
	_ =	sdelay $0x3  }
0xf8: {  	v15 =	vld [tilespmem:$0x570]  }
0xf9: {  	[tilespmem:$0xD50] =	vst v0  }
0xfa: {  	v0 =	vld.idx.msk [tilespmem:v14+s2+$0x0], $0xffff;
	_ =	sdelay $0x3  }
0xfb: {  	v16 =	vld [tilespmem:$0x580]  }
0xfc: {  	[tilespmem:$0xD60] =	vst v0  }
0xfd: {  	v0 =	vld.idx.msk [tilespmem:v15+s2+$0x0], $0xffff;
	_ =	sdelay $0x3  }
0xfe: {  	v17 =	vld [tilespmem:$0x590]  }
0xff: {  	[tilespmem:$0xD70] =	vst v0  }
0x100: {  	v0 =	vld.idx.msk [tilespmem:v16+s2+$0x0], $0xffff;
	_ =	sdelay $0x3  }
0x101: {  	v18 =	vld [tilespmem:$0x5A0]  }
0x102: {  	[tilespmem:$0xD80] =	vst v0  }
0x103: {  	v0 =	vld.idx.msk [tilespmem:v17+s2+$0x0], $0xffff;
	_ =	sdelay $0x3  }
0x104: {  	v19 =	vld [tilespmem:$0x5B0]  }
0x105: {  	[tilespmem:$0xD90] =	vst v0  }
0x106: {  	v0 =	vld.idx.msk [tilespmem:v18+s2+$0x0], $0xffff;
	_ =	sdelay $0x3  }
0x107: {  	v20 =	vld [tilespmem:$0x5C0]  }
0x108: {  	[tilespmem:$0xDA0] =	vst v0  }
0x109: {  	v0 =	vld.idx.msk [tilespmem:v19+s2+$0x0], $0xffff;
	_ =	sdelay $0x3  }
0x10a: {  	v21 =	vld [tilespmem:$0x5D0]  }
0x10b: {  	[tilespmem:$0xDB0] =	vst v0  }
0x10c: {  	v0 =	vld.idx.msk [tilespmem:v20+s2+$0x0], $0xffff;
	_ =	sdelay $0x3  }
0x10d: {  	v22 =	vld [tilespmem:$0x5E0]  }
0x10e: {  	[tilespmem:$0xDC0] =	vst v0  }
0x10f: {  	v0 =	vld.idx.msk [tilespmem:v21+s2+$0x0], $0xffff;
	_ =	sdelay $0x3  }
0x110: {  	v23 =	vld [tilespmem:$0x5F0]  }
0x111: {  	[tilespmem:$0xDD0] =	vst v0  }
0x112: {  	v0 =	vld.idx.msk [tilespmem:v22+s2+$0x0], $0xffff;
	_ =	sdelay $0x3  }
0x113: {  	v24 =	vld [tilespmem:$0x600]  }
0x114: {  	[tilespmem:$0xDE0] =	vst v0  }
0x115: {  	v0 =	vld.idx.msk [tilespmem:v23+s2+$0x0], $0xffff;
	_ =	sdelay $0x3  }
0x116: {  	v25 =	vld [tilespmem:$0x610]  }
0x117: {  	[tilespmem:$0xDF0] =	vst v0  }
0x118: {  	v0 =	vld.idx.msk [tilespmem:v24+s2+$0x0], $0xffff;
	_ =	sdelay $0x3  }
0x119: {  	v26 =	vld [tilespmem:$0x620]  }
0x11a: {  	[tilespmem:$0xE00] =	vst v0  }
0x11b: {  	v0 =	vld.idx.msk [tilespmem:v25+s2+$0x0], $0xffff;
	_ =	sdelay $0x3  }
0x11c: {  	v27 =	vld [tilespmem:$0x630]  }
0x11d: {  	[tilespmem:$0xE10] =	vst v0  }
0x11e: {  	v0 =	vld.idx.msk [tilespmem:v26+s2+$0x0], $0xffff;
	_ =	sdelay $0x3  }
0x11f: {  	v28 =	vld [tilespmem:$0x640]  }
0x120: {  	[tilespmem:$0xE20] =	vst v0  }
0x121: {  	v0 =	vld.idx.msk [tilespmem:v27+s2+$0x0], $0xffff;
	_ =	sdelay $0x3  }
0x122: {  	v29 =	vld [tilespmem:$0x650]  }
0x123: {  	[tilespmem:$0xE30] =	vst v0  }
0x124: {  	v0 =	vld.idx.msk [tilespmem:v28+s2+$0x0], $0xffff;
	_ =	sdelay $0x3  }
0x125: {  	v30 =	vld [tilespmem:$0x660]  }
0x126: {  	[tilespmem:$0xE40] =	vst v0  }
0x127: {  	v0 =	vld.idx.msk [tilespmem:v29+s2+$0x0], $0xffff;
	_ =	sdelay $0x3  }
0x128: {  	v31 =	vld [tilespmem:$0x670]  }
0x129: {  	[tilespmem:$0xE50] =	vst v0  }
0x12a: {  	v0 =	vld.idx.msk [tilespmem:v30+s2+$0x0], $0xffff;
	_ =	sdelay $0x3  }
0x12b: {  	v32 =	vld [tilespmem:$0x680]  }
0x12c: {  	[tilespmem:$0xE60] =	vst v0  }
0x12d: {  	v0 =	vld.idx.msk [tilespmem:v31+s2+$0x0], $0xffff;
	_ =	sdelay $0x3  }
0x12e: {  	v33 =	vld [tilespmem:$0x690]  }
0x12f: {  	[tilespmem:$0xE70] =	vst v0  }
0x130: {  	v0 =	vld.idx.msk [tilespmem:v32+s2+$0x0], $0xffff;
	_ =	sdelay $0x3  }
0x131: {  	v34 =	vld [tilespmem:$0x6A0]  }
0x132: {  	[tilespmem:$0xE80] =	vst v0  }
0x133: {  	v0 =	vld.idx.msk [tilespmem:v33+s2+$0x0], $0xffff;
	_ =	sdelay $0x3  }
0x134: {  	v35 =	vld [tilespmem:$0x6B0]  }
0x135: {  	[tilespmem:$0xE90] =	vst v0  }
0x136: {  	v0 =	vld.idx.msk [tilespmem:v34+s2+$0x0], $0xffff;
	_ =	sdelay $0x3  }
0x137: {  	v36 =	vld [tilespmem:$0x6C0]  }
0x138: {  	[tilespmem:$0xEA0] =	vst v0  }
0x139: {  	v0 =	vld.idx.msk [tilespmem:v35+s2+$0x0], $0xffff;
	_ =	sdelay $0x3  }
0x13a: {  	v37 =	vld [tilespmem:$0x6D0]  }
0x13b: {  	[tilespmem:$0xEB0] =	vst v0  }
0x13c: {  	v0 =	vld.idx.msk [tilespmem:v36+s2+$0x0], $0xffff;
	_ =	sdelay $0x3  }
0x13d: {  	v38 =	vld [tilespmem:$0x6E0]  }
0x13e: {  	[tilespmem:$0xEC0] =	vst v0  }
0x13f: {  	v0 =	vld.idx.msk [tilespmem:v37+s2+$0x0], $0xffff;
	_ =	sdelay $0x3  }
0x140: {  	v39 =	vld [tilespmem:$0x6F0]  }
0x141: {  	[tilespmem:$0xED0] =	vst v0  }
0x142: {  	v0 =	vld.idx.msk [tilespmem:v38+s2+$0x0], $0xffff;
	_ =	sdelay $0x3  }
0x143: {  	v40 =	vld [tilespmem:$0x700]  }
0x144: {  	[tilespmem:$0xEE0] =	vst v0  }
0x145: {  	v0 =	vld.idx.msk [tilespmem:v39+s2+$0x0], $0xffff;
	_ =	sdelay $0x3  }
0x146: {  	v41 =	vld [tilespmem:$0x710]  }
0x147: {  	[tilespmem:$0xEF0] =	vst v0  }
0x148: {  	v0 =	vld.idx.msk [tilespmem:v40+s2+$0x0], $0xffff;
	_ =	sdelay $0x3  }
0x149: {  	v42 =	vld [tilespmem:$0x720]  }
0x14a: {  	[tilespmem:$0xF00] =	vst v0  }
0x14b: {  	v0 =	vld.idx.msk [tilespmem:v41+s2+$0x0], $0xffff;
	_ =	sdelay $0x3  }
0x14c: {  	v43 =	vld [tilespmem:$0x730]  }
0x14d: {  	[tilespmem:$0xF10] =	vst v0  }
0x14e: {  	v0 =	vld.idx.msk [tilespmem:v42+s2+$0x0], $0xffff;
	_ =	sdelay $0x3  }
0x14f: {  	v44 =	vld [tilespmem:$0x740]  }
0x150: {  	[tilespmem:$0xF20] =	vst v0  }
0x151: {  	v0 =	vld.idx.msk [tilespmem:v43+s2+$0x0], $0xffff;
	_ =	sdelay $0x3  }
0x152: {  	v45 =	vld [tilespmem:$0x750]  }
0x153: {  	[tilespmem:$0xF30] =	vst v0  }
0x154: {  	v0 =	vld.idx.msk [tilespmem:v44+s2+$0x0], $0xffff;
	_ =	sdelay $0x3  }
0x155: {  	v46 =	vld [tilespmem:$0x760]  }
0x156: {  	[tilespmem:$0xF40] =	vst v0  }
0x157: {  	v0 =	vld.idx.msk [tilespmem:v45+s2+$0x0], $0xffff;
	_ =	sdelay $0x3  }
0x158: {  	v47 =	vld [tilespmem:$0x770]  }
0x159: {  	[tilespmem:$0xF50] =	vst v0  }
0x15a: {  	v0 =	vld.idx.msk [tilespmem:v46+s2+$0x0], $0xffff;
	_ =	sdelay $0x3  }
0x15b: {  	v48 =	vld [tilespmem:$0x780]  }
0x15c: {  	[tilespmem:$0xF60] =	vst v0  }
0x15d: {  	v0 =	vld.idx.msk [tilespmem:v47+s2+$0x0], $0xffff;
	_ =	sdelay $0x3  }
0x15e: {  	v49 =	vld [tilespmem:$0x790]  }
0x15f: {  	[tilespmem:$0xF70] =	vst v0  }
0x160: {  	v0 =	vld.idx.msk [tilespmem:v48+s2+$0x0], $0xffff;
	_ =	sdelay $0x3  }
0x161: {  	v50 =	vld [tilespmem:$0x7A0]  }
0x162: {  	[tilespmem:$0xF80] =	vst v0  }
0x163: {  	v0 =	vld.idx.msk [tilespmem:v49+s2+$0x0], $0xffff;
	_ =	sdelay $0x3  }
0x164: {  	v51 =	vld [tilespmem:$0x7B0]  }
0x165: {  	[tilespmem:$0xF90] =	vst v0  }
0x166: {  	v0 =	vld.idx.msk [tilespmem:v50+s2+$0x0], $0xffff;
	_ =	sdelay $0x3  }
0x167: {  	v52 =	vld [tilespmem:$0x7C0]  }
0x168: {  	[tilespmem:$0xFA0] =	vst v0  }
0x169: {  	v0 =	vld.idx.msk [tilespmem:v51+s2+$0x0], $0xffff;
	_ =	sdelay $0x3  }
0x16a: {  	v53 =	vld [tilespmem:$0x7D0]  }
0x16b: {  	[tilespmem:$0xFB0] =	vst v0  }
0x16c: {  	v0 =	vld.idx.msk [tilespmem:v52+s2+$0x0], $0xffff;
	_ =	sdelay $0x3  }
0x16d: {  	v54 =	vld [tilespmem:$0x7E0]  }
0x16e: {  	[tilespmem:$0xFC0] =	vst v0  }
0x16f: {  	v0 =	vld.idx.msk [tilespmem:v53+s2+$0x0], $0xffff;
	_ =	sdelay $0x3  }
0x170: {  	v55 =	vld [tilespmem:$0x7F0]  }
0x171: {  	[tilespmem:$0xFD0] =	vst v0  }
0x172: {  	v0 =	vld.idx.msk [tilespmem:v54+s2+$0x0], $0xffff;
	_ =	sdelay $0x3  }
0x173: {  	v56 =	vld [tilespmem:$0x800]  }
0x174: {  	[tilespmem:$0xFE0] =	vst v0  }
0x175: {  	v0 =	vld.idx.msk [tilespmem:v55+s2+$0x0], $0xffff;
	_ =	sdelay $0x3  }
0x176: {  	v57 =	vld [tilespmem:$0x810]  }
0x177: {  	[tilespmem:$0xFF0] =	vst v0  }
0x178: {  	v0 =	vld.idx.msk [tilespmem:v56+s2+$0x0], $0xffff;
	_ =	sdelay $0x3  }
0x179: {  	v58 =	vld [tilespmem:$0x820]  }
0x17a: {  	[tilespmem:$0x1000] =	vst v0  }
0x17b: {  	v0 =	vld.idx.msk [tilespmem:v57+s2+$0x0], $0xffff;
	_ =	sdelay $0x3  }
0x17c: {  	v59 =	vld [tilespmem:$0x830]  }
0x17d: {  	[tilespmem:$0x1010] =	vst v0  }
0x17e: {  	v0 =	vld.idx.msk [tilespmem:v58+s2+$0x0], $0xffff;
	_ =	sdelay $0x3  }
0x17f: {  	v60 =	vld [tilespmem:$0x840]  }
0x180: {  	[tilespmem:$0x1020] =	vst v0  }
0x181: {  	v0 =	vld.idx.msk [tilespmem:v59+s2+$0x0], $0xffff;
	_ =	sdelay $0x3  }
0x182: {  	v61 =	vld [tilespmem:$0x850]  }
0x183: {  	[tilespmem:$0x1030] =	vst v0  }
0x184: {  	v0 =	vld.idx.msk [tilespmem:v60+s2+$0x0], $0xffff;
	_ =	sdelay $0x3  }
0x185: {  	v62 =	vld [tilespmem:$0x860]  }
0x186: {  	[tilespmem:$0x1040] =	vst v0  }
0x187: {  	v0 =	vld.idx.msk [tilespmem:v61+s2+$0x0], $0xffff;
	_ =	sdelay $0x3  }
0x188: {  	v63 =	vld [tilespmem:$0x870]  }
0x189: {  	[tilespmem:$0x1050] =	vst v0  }
0x18a: {  	v0 =	vld.idx.msk [tilespmem:v62+s2+$0x0], $0xffff;
	_ =	sdelay $0x4  }
0x18b: {  	[tilespmem:$0x1060] =	vst v0  }
0x18c: {  	v0 =	vld.idx.msk [tilespmem:v63+s2+$0x0], $0xffff;
	_ =	sdelay $0x4  }
0x18d: {  	s31 =	simm.s32 $0x880;
	s3 =	sadd.s32 s3, s5;
	[tilespmem:$0x1070] =	vst v0  }
0x18e: {  	[hbm4b:s3+s2] =	stream.linear.scatter [tilespmem:s31], [sflag:$0x1], $0x800, $0x38;
	[tilespmem:$0x1080] =	vst v63  }
0x18f: {  	_ =	swait.ge [sflag:s4], $0x800  }
0x190: {  	[sflag:s4] =	ssyncset.done $0x0  }
0x191: {  	[sflag:s4] =	ssyncadd.s32 $0xFFFFF800  }
0x192: {  	_ =	sfence.sel $0x180000  }
0x193: {  	[bflag:$0x0] =	sbarrier.arrive $0xFFFF  }
0x194: {  	p0 =	sne.s32 s30, $0x0;
	_ =	strace $0x90000047  }
0x195: {  	s0 =	sadd.s32 @!p0 $0x100000, s0;
	[bflag:$0x2] =	sbarrier.arrive $0xFFFF  }
0x196: {  	[sflag:s0] =	ssyncadd.tile.s32 @!p0 $0x1;
	_ =	shalt  }
.Lfunc_end2:
_tile_overlayer_lowered:
.L_overlay_start_2:
0x197: {  	(tag) =	ssettag $0x2  }
0x198: {  	s0 =	rddreg [dreg:$0x0];
	s2 =	stileid.u32  }
0x199: {  	s1 =	rddreg [dreg:$0x1];
	p0 =	sne.s32 s2, $0x0  }
0x19a: {  	s3 =	rddreg [dreg:$0x2];
	[bflag:$0x3] =	sbarrier.arrive $0xFFFF;
	s2 =	simm.s32 @!p0 $0x1C01  }
0x19b: {  	[timem:s3], [sflag:s2] =	dma.local @!p0 [hbm:s0], s1  }
0x19c: {  	s0 =	simm.s32 @!p0 $0x1  }
0x19d: {  	_ =	swait.ge @!p0 [sflag:s0], s1  }
0x19e: {  	s1 =	ssub.s32 @!p0 $0x0, s1;
	[sflag:s0] =	ssyncset.done @!p0 $0x0  }
0x19f: {  	[sflag:s0] =	ssyncadd.s32 @!p0 s1  }
0x1a0: {  	[bflag:$0x3] =	sbarrier.arrive $0xFFFF  }
0x1a1: {  	_ =	shalt  }

</sc_bundles>
